<compile_context>
chip_gen: v7x
topology: tpu7x:2x2x1
jax: 0.10.2.dev20260603
libtpu: 0.0.44.dev20260713+nightly
codegen_flags: <defaults>
</compile_context>

<pallas_src>
import functools
import jax
import jax.numpy as jnp
from jax import lax
from jax.experimental import pallas as pl
from jax.experimental.pallas import tpu as pltpu
from jax.experimental.pallas import tpu_sc as plsc

BATCH = 4
SEQ_LEN = 8192
D_MODEL = 1024
NC, NS, L = 2, 16, 16
NW = NC * NS
ROWS_PER_W = SEQ_LEN // NW
T = 8
N_CHUNKS = ROWS_PER_W // T
N_STEPS = N_CHUNKS * BATCH
VECS_PER_ROW = D_MODEL // L
N_IO = 8
QS = N_STEPS // 8

_mesh = plsc.VectorSubcoreMesh(core_axis_name="c", subcore_axis_name="s")


@functools.partial(
    pl.kernel,
    out_type=jax.ShapeDtypeStruct((BATCH, SEQ_LEN, D_MODEL), jnp.float32),
    mesh=_mesh,
    scratch_types=(
        [pltpu.VMEM((T, D_MODEL), jnp.float32)] * 2
        + [pltpu.VMEM((T, D_MODEL), jnp.float32)] * N_IO
        + [pltpu.SemaphoreType.DMA] * 2
        + [pltpu.SemaphoreType.DMA] * N_IO
        + [pltpu.SemaphoreType.DMA] * N_IO
    ),
)
def _sc_add(in_hbm, tab_hbm, out_hbm, *scratch):
    tabs = scratch[0:2]
    ios = scratch[2:2 + N_IO]
    tab_sems = scratch[2 + N_IO:4 + N_IO]
    in_sems = scratch[4 + N_IO:4 + 2 * N_IO]
    out_sems = scratch[4 + 2 * N_IO:4 + 3 * N_IO]

    wid = lax.axis_index("c") * NS + lax.axis_index("s")
    base = wid * ROWS_PER_W

    def compute(io, tab):
        @plsc.parallel_loop(0, T * VECS_PER_ROW, step=1, unroll=8)
        def _(i):
            r = i // VECS_PER_ROW
            col = (i % VECS_PER_ROW) * L
            plsc.addupdate(io.at[r, pl.ds(col, L)], tab[r, pl.ds(col, L)])

    pltpu.async_copy(tab_hbm.at[pl.ds(base, T)], tabs[0], tab_sems[0])
    for j in range(4):
        pltpu.async_copy(in_hbm.at[j, pl.ds(base, T)], ios[j], in_sems[j])

    def q_body(q, _):
        for j in range(8):
            par = 1 if j >= 4 else 0
            b = j % 4
            ci = 2 * q + par
            row0 = base + ci * T
            j4 = (j + 4) % 8

            if j < 4:
                @pl.when(q > 0)
                def _():
                    pltpu.make_async_copy(
                        ios[j4], out_hbm.at[0, pl.ds(row0, T)],
                        out_sems[j4]).wait()
            else:
                pltpu.make_async_copy(
                    ios[j4], out_hbm.at[0, pl.ds(row0, T)],
                    out_sems[j4]).wait()

            ci_n = ci + 1
            rown = base + ci_n * T
            if j < 4:
                pltpu.async_copy(in_hbm.at[b, pl.ds(rown, T)],
                                 ios[j4], in_sems[j4])
            else:
                @pl.when(q < QS - 1)
                def _():
                    pltpu.async_copy(in_hbm.at[b, pl.ds(rown, T)],
                                     ios[j4], in_sems[j4])

            pltpu.make_async_copy(in_hbm.at[b, pl.ds(row0, T)],
                                  ios[j], in_sems[j]).wait()
            if b == 0:
                pltpu.make_async_copy(tab_hbm.at[pl.ds(row0, T)],
                                      tabs[par], tab_sems[par]).wait()
                if par == 0:
                    pltpu.async_copy(tab_hbm.at[pl.ds(row0 + T, T)],
                                     tabs[1], tab_sems[1])
                else:
                    @pl.when(q < QS - 1)
                    def _():
                        pltpu.async_copy(tab_hbm.at[pl.ds(row0 + T, T)],
                                         tabs[0], tab_sems[0])

            compute(ios[j], tabs[par])

            pltpu.async_copy(ios[j], out_hbm.at[b, pl.ds(row0, T)],
                             out_sems[j])
        return 0

    lax.fori_loop(0, QS, q_body, 0)

    last = base + (N_CHUNKS - 1) * T
    for j in range(4, 8):
        pltpu.make_async_copy(ios[j], out_hbm.at[j - 4, pl.ds(last, T)],
                              out_sems[j]).wait()


def kernel(inputs, pos_table):
    return _sc_add(inputs, pos_table)

# --- scband reference (transcript-rebuilt; emitter-appended) ---
"""Pipeline reference for scband-position-embedding-47476568490647 (READ-ONLY COPY).

The authoritative reference and input builder live on the scoring server;
editing this copy changes nothing except your own understanding.
"""

import jax, jax.numpy as jnp
import numpy as np

SEQ_LEN = 8192
D_MODEL = 1024
BATCH = 4

def setup_inputs(seed: int = 0) -> dict:
    key = jax.random.key(seed)
    k1, k2 = jax.random.split(key)
    inputs = jax.random.normal(k1, (BATCH, SEQ_LEN, D_MODEL), dtype=jnp.float32)
    # learned position embedding table per init_kwargs (sequence_length, output_dim)
    pos_table = jax.random.normal(k2, (SEQ_LEN, D_MODEL), dtype=jnp.float32) * 0.02
    return {"inputs": inputs, "pos_table": pos_table}

def reference(inputs, pos_table):
    length = inputs.shape[1]
    positions = jnp.arange(0, length, 1)
    embedded_positions = jnp.take(pos_table, positions, axis=0)  # gather / embedding lookup
    return inputs + embedded_positions

if __name__ == "__main__":
    import jax
    _d = setup_inputs()
    print(jax.jit(kernel)(*tuple(_d.values())))

</pallas_src>

<mosaic_0001>
#map = affine_map<(d0, d1) -> (0, 0, 0)>
#map1 = affine_map<(d0, d1) -> (0, 0)>
module attributes {stable_mosaic.version = 14 : i64} {
  func.func @_sc_add(%arg0: i32, %arg1: i32, %arg2: memref<4x8192x1024xf32, #tpu.memory_space<hbm>>, %arg3: memref<8192x1024xf32, #tpu.memory_space<hbm>>, %arg4: memref<4x8192x1024xf32, #tpu.memory_space<hbm>>, %arg5: memref<8x1024xf32, #tpu.memory_space<vmem>>, %arg6: memref<8x1024xf32, #tpu.memory_space<vmem>>, %arg7: memref<8x1024xf32, #tpu.memory_space<vmem>>, %arg8: memref<8x1024xf32, #tpu.memory_space<vmem>>, %arg9: memref<8x1024xf32, #tpu.memory_space<vmem>>, %arg10: memref<8x1024xf32, #tpu.memory_space<vmem>>, %arg11: memref<8x1024xf32, #tpu.memory_space<vmem>>, %arg12: memref<8x1024xf32, #tpu.memory_space<vmem>>, %arg13: memref<8x1024xf32, #tpu.memory_space<vmem>>, %arg14: memref<8x1024xf32, #tpu.memory_space<vmem>>, %arg15: memref<!tpu.dma_semaphore, #tpu.memory_space<semaphore_mem>>, %arg16: memref<!tpu.dma_semaphore, #tpu.memory_space<semaphore_mem>>, %arg17: memref<!tpu.dma_semaphore, #tpu.memory_space<semaphore_mem>>, %arg18: memref<!tpu.dma_semaphore, #tpu.memory_space<semaphore_mem>>, %arg19: memref<!tpu.dma_semaphore, #tpu.memory_space<semaphore_mem>>, %arg20: memref<!tpu.dma_semaphore, #tpu.memory_space<semaphore_mem>>, %arg21: memref<!tpu.dma_semaphore, #tpu.memory_space<semaphore_mem>>, %arg22: memref<!tpu.dma_semaphore, #tpu.memory_space<semaphore_mem>>, %arg23: memref<!tpu.dma_semaphore, #tpu.memory_space<semaphore_mem>>, %arg24: memref<!tpu.dma_semaphore, #tpu.memory_space<semaphore_mem>>, %arg25: memref<!tpu.dma_semaphore, #tpu.memory_space<semaphore_mem>>, %arg26: memref<!tpu.dma_semaphore, #tpu.memory_space<semaphore_mem>>, %arg27: memref<!tpu.dma_semaphore, #tpu.memory_space<semaphore_mem>>, %arg28: memref<!tpu.dma_semaphore, #tpu.memory_space<semaphore_mem>>, %arg29: memref<!tpu.dma_semaphore, #tpu.memory_space<semaphore_mem>>, %arg30: memref<!tpu.dma_semaphore, #tpu.memory_space<semaphore_mem>>, %arg31: memref<!tpu.dma_semaphore, #tpu.memory_space<semaphore_mem>>, %arg32: memref<!tpu.dma_semaphore, #tpu.memory_space<semaphore_mem>>) attributes {dimension_semantics = [#tpu.dimension_semantics<core_parallel>, #tpu.dimension_semantics<subcore_parallel>], iteration_bounds = array<i64: 2, 16>, scalar_prefetch = 0 : i64, scratch_operands = 28 : i64, tpu.core_type = #tpu.core_type<sc_vector_subcore>, window_params = [{transform_indices = #map}, {transform_indices = #map1}, {transform_indices = #map}]} {
    %mul3A = arith.constant 16 : i32
    %mul3A_0 = arith.muli %arg0, %mul3A : i32
    %add3A = arith.addi %mul3A_0, %arg1 : i32
    %mul3A_1 = arith.constant 256 : i32
    %mul3A_2 = arith.muli %add3A, %mul3A_1 : i32
    %dma_start3A = arith.constant 0 : i32
    %dma_start3A_3 = tpu.memref_slice %arg3[%mul3A_2, %dma_start3A] : memref<8192x1024xf32, #tpu.memory_space<hbm>> -> memref<8x1024xf32, #tpu.memory_space<hbm>>
    %dma_start3A_4 = arith.constant 0 : i32
    %dma_start3A_5 = tpu.memref_slice %arg3[%mul3A_2, %dma_start3A_4] : memref<8192x1024xf32, #tpu.memory_space<hbm>> -> memref<8x1024xf32, #tpu.memory_space<hbm>>
    tpu.enqueue_dma source(%dma_start3A_5 : memref<8x1024xf32, #tpu.memory_space<hbm>>) target(%arg5 : memref<8x1024xf32, #tpu.memory_space<vmem>>) target_semaphore(%arg15 : memref<!tpu.dma_semaphore, #tpu.memory_space<semaphore_mem>>)
    %dma_start3A_6 = arith.constant 0 : i32
    %dma_start3A_7 = arith.constant 0 : i32
    %dma_start3A_8 = tpu.memref_slice %arg2[%dma_start3A_6, %mul3A_2, %dma_start3A_7] : memref<4x8192x1024xf32, #tpu.memory_space<hbm>> -> memref<1x8x1024xf32, #tpu.memory_space<hbm>>
    %dma_start3A_9 = tpu.memref_squeeze %dma_start3A_8 : memref<1x8x1024xf32, #tpu.memory_space<hbm>> -> memref<8x1024xf32, #tpu.memory_space<hbm>>
    %dma_start3A_10 = arith.constant 0 : i32
    %dma_start3A_11 = tpu.memref_slice %arg2[%dma_start3A_6, %mul3A_2, %dma_start3A_10] : memref<4x8192x1024xf32, #tpu.memory_space<hbm>> -> memref<1x8x1024xf32, #tpu.memory_space<hbm>>
    %dma_start3A_12 = tpu.memref_squeeze %dma_start3A_11 : memref<1x8x1024xf32, #tpu.memory_space<hbm>> -> memref<8x1024xf32, #tpu.memory_space<hbm>>
    tpu.enqueue_dma source(%dma_start3A_12 : memref<8x1024xf32, #tpu.memory_space<hbm>>) target(%arg7 : memref<8x1024xf32, #tpu.memory_space<vmem>>) target_semaphore(%arg17 : memref<!tpu.dma_semaphore, #tpu.memory_space<semaphore_mem>>)
    %dma_start3A_13 = arith.constant 1 : i32
    %dma_start3A_14 = arith.constant 0 : i32
    %dma_start3A_15 = tpu.memref_slice %arg2[%dma_start3A_13, %mul3A_2, %dma_start3A_14] : memref<4x8192x1024xf32, #tpu.memory_space<hbm>> -> memref<1x8x1024xf32, #tpu.memory_space<hbm>>
    %dma_start3A_16 = tpu.memref_squeeze %dma_start3A_15 : memref<1x8x1024xf32, #tpu.memory_space<hbm>> -> memref<8x1024xf32, #tpu.memory_space<hbm>>
    %dma_start3A_17 = arith.constant 0 : i32
    %dma_start3A_18 = tpu.memref_slice %arg2[%dma_start3A_13, %mul3A_2, %dma_start3A_17] : memref<4x8192x1024xf32, #tpu.memory_space<hbm>> -> memref<1x8x1024xf32, #tpu.memory_space<hbm>>
    %dma_start3A_19 = tpu.memref_squeeze %dma_start3A_18 : memref<1x8x1024xf32, #tpu.memory_space<hbm>> -> memref<8x1024xf32, #tpu.memory_space<hbm>>
    tpu.enqueue_dma source(%dma_start3A_19 : memref<8x1024xf32, #tpu.memory_space<hbm>>) target(%arg8 : memref<8x1024xf32, #tpu.memory_space<vmem>>) target_semaphore(%arg18 : memref<!tpu.dma_semaphore, #tpu.memory_space<semaphore_mem>>)
    %dma_start3A_20 = arith.constant 2 : i32
    %dma_start3A_21 = arith.constant 0 : i32
    %dma_start3A_22 = tpu.memref_slice %arg2[%dma_start3A_20, %mul3A_2, %dma_start3A_21] : memref<4x8192x1024xf32, #tpu.memory_space<hbm>> -> memref<1x8x1024xf32, #tpu.memory_space<hbm>>
    %dma_start3A_23 = tpu.memref_squeeze %dma_start3A_22 : memref<1x8x1024xf32, #tpu.memory_space<hbm>> -> memref<8x1024xf32, #tpu.memory_space<hbm>>
    %dma_start3A_24 = arith.constant 0 : i32
    %dma_start3A_25 = tpu.memref_slice %arg2[%dma_start3A_20, %mul3A_2, %dma_start3A_24] : memref<4x8192x1024xf32, #tpu.memory_space<hbm>> -> memref<1x8x1024xf32, #tpu.memory_space<hbm>>
    %dma_start3A_26 = tpu.memref_squeeze %dma_start3A_25 : memref<1x8x1024xf32, #tpu.memory_space<hbm>> -> memref<8x1024xf32, #tpu.memory_space<hbm>>
    tpu.enqueue_dma source(%dma_start3A_26 : memref<8x1024xf32, #tpu.memory_space<hbm>>) target(%arg9 : memref<8x1024xf32, #tpu.memory_space<vmem>>) target_semaphore(%arg19 : memref<!tpu.dma_semaphore, #tpu.memory_space<semaphore_mem>>)
    %dma_start3A_27 = arith.constant 3 : i32
    %dma_start3A_28 = arith.constant 0 : i32
    %dma_start3A_29 = tpu.memref_slice %arg2[%dma_start3A_27, %mul3A_2, %dma_start3A_28] : memref<4x8192x1024xf32, #tpu.memory_space<hbm>> -> memref<1x8x1024xf32, #tpu.memory_space<hbm>>
    %dma_start3A_30 = tpu.memref_squeeze %dma_start3A_29 : memref<1x8x1024xf32, #tpu.memory_space<hbm>> -> memref<8x1024xf32, #tpu.memory_space<hbm>>
    %dma_start3A_31 = arith.constant 0 : i32
    %dma_start3A_32 = tpu.memref_slice %arg2[%dma_start3A_27, %mul3A_2, %dma_start3A_31] : memref<4x8192x1024xf32, #tpu.memory_space<hbm>> -> memref<1x8x1024xf32, #tpu.memory_space<hbm>>
    %dma_start3A_33 = tpu.memref_squeeze %dma_start3A_32 : memref<1x8x1024xf32, #tpu.memory_space<hbm>> -> memref<8x1024xf32, #tpu.memory_space<hbm>>
    tpu.enqueue_dma source(%dma_start3A_33 : memref<8x1024xf32, #tpu.memory_space<hbm>>) target(%arg10 : memref<8x1024xf32, #tpu.memory_space<vmem>>) target_semaphore(%arg20 : memref<!tpu.dma_semaphore, #tpu.memory_space<semaphore_mem>>)
    %scan3A = arith.constant 0 : i32
    %scan3A_34 = arith.constant 0 : i32
    %scan3A_35 = arith.constant 16 : i32
    %scan3A_36 = arith.addi %scan3A_34, %scan3A_35 : i32
    %scan3A_37 = arith.constant 1 : i32
    %scan3A_38 = scf.for %scan3A_69 = %scan3A_34 to %scan3A_36 step %scan3A_37 iter_args(%scan3A_70 = %scan3A) -> (i32)  : i32 {
      %mul3A_71 = arith.constant 2 : i32
      %mul3A_72 = arith.muli %mul3A_71, %scan3A_69 : i32
      %add3A_73 = arith.constant 0 : i32
      %add3A_74 = arith.addi %mul3A_72, %add3A_73 : i32
      %mul3A_75 = arith.constant 8 : i32
      %mul3A_76 = arith.muli %add3A_74, %mul3A_75 : i32
      %add3A_77 = arith.addi %mul3A_2, %mul3A_76 : i32
      %gt3A = arith.constant 0 : i32
      %gt3A_78 = arith.cmpi sgt, %scan3A_69, %gt3A : i32
      %convert_element_type3A = arith.extui %gt3A_78 : i1 to i32
      %cond3A = arith.constant 0 : i32
      %cond3A_79 = arith.cmpi ne, %convert_element_type3A, %cond3A : i32
      scf.if %cond3A_79 {
        %dma_wait3A_414 = arith.constant 0 : i32
        %dma_wait3A_415 = arith.constant 0 : i32
        %dma_wait3A_416 = tpu.memref_slice %arg4[%dma_wait3A_414, %add3A_77, %dma_wait3A_415] : memref<4x8192x1024xf32, #tpu.memory_space<hbm>> -> memref<1x8x1024xf32, #tpu.memory_space<hbm>>
        %dma_wait3A_417 = tpu.memref_squeeze %dma_wait3A_416 : memref<1x8x1024xf32, #tpu.memory_space<hbm>> -> memref<8x1024xf32, #tpu.memory_space<hbm>>
        %dma_wait3A_418 = arith.constant 0 : i32
        %dma_wait3A_419 = tpu.memref_slice %arg4[%dma_wait3A_414, %add3A_77, %dma_wait3A_418] : memref<4x8192x1024xf32, #tpu.memory_space<hbm>> -> memref<1x8x1024xf32, #tpu.memory_space<hbm>>
        %dma_wait3A_420 = tpu.memref_squeeze %dma_wait3A_419 : memref<1x8x1024xf32, #tpu.memory_space<hbm>> -> memref<8x1024xf32, #tpu.memory_space<hbm>>
        tpu.wait_dma2 semaphore(%arg29 : memref<!tpu.dma_semaphore, #tpu.memory_space<semaphore_mem>>) src(%arg11 : memref<8x1024xf32, #tpu.memory_space<vmem>>) dst(%dma_wait3A_420 : memref<8x1024xf32, #tpu.memory_space<hbm>>)
      } else {
      }
      %add3A_80 = arith.constant 1 : i32
      %add3A_81 = arith.addi %add3A_74, %add3A_80 : i32
      %mul3A_82 = arith.constant 8 : i32
      %mul3A_83 = arith.muli %add3A_81, %mul3A_82 : i32
      %add3A_84 = arith.addi %mul3A_2, %mul3A_83 : i32
      %dma_start3A_85 = arith.constant 0 : i32
      %dma_start3A_86 = arith.constant 0 : i32
      %dma_start3A_87 = tpu.memref_slice %arg2[%dma_start3A_85, %add3A_84, %dma_start3A_86] : memref<4x8192x1024xf32, #tpu.memory_space<hbm>> -> memref<1x8x1024xf32, #tpu.memory_space<hbm>>
      %dma_start3A_88 = tpu.memref_squeeze %dma_start3A_87 : memref<1x8x1024xf32, #tpu.memory_space<hbm>> -> memref<8x1024xf32, #tpu.memory_space<hbm>>
      %dma_start3A_89 = arith.constant 0 : i32
      %dma_start3A_90 = tpu.memref_slice %arg2[%dma_start3A_85, %add3A_84, %dma_start3A_89] : memref<4x8192x1024xf32, #tpu.memory_space<hbm>> -> memref<1x8x1024xf32, #tpu.memory_space<hbm>>
      %dma_start3A_91 = tpu.memref_squeeze %dma_start3A_90 : memref<1x8x1024xf32, #tpu.memory_space<hbm>> -> memref<8x1024xf32, #tpu.memory_space<hbm>>
      tpu.enqueue_dma source(%dma_start3A_91 : memref<8x1024xf32, #tpu.memory_space<hbm>>) target(%arg11 : memref<8x1024xf32, #tpu.memory_space<vmem>>) target_semaphore(%arg21 : memref<!tpu.dma_semaphore, #tpu.memory_space<semaphore_mem>>)
      %dma_wait3A_92 = arith.constant 0 : i32
      %dma_wait3A_93 = arith.constant 0 : i32
      %dma_wait3A_94 = tpu.memref_slice %arg2[%dma_wait3A_92, %add3A_77, %dma_wait3A_93] : memref<4x8192x1024xf32, #tpu.memory_space<hbm>> -> memref<1x8x1024xf32, #tpu.memory_space<hbm>>
      %dma_wait3A_95 = tpu.memref_squeeze %dma_wait3A_94 : memref<1x8x1024xf32, #tpu.memory_space<hbm>> -> memref<8x1024xf32, #tpu.memory_space<hbm>>
      %dma_wait3A_96 = arith.constant 0 : i32
      %dma_wait3A_97 = tpu.memref_slice %arg2[%dma_wait3A_92, %add3A_77, %dma_wait3A_96] : memref<4x8192x1024xf32, #tpu.memory_space<hbm>> -> memref<1x8x1024xf32, #tpu.memory_space<hbm>>
      %dma_wait3A_98 = tpu.memref_squeeze %dma_wait3A_97 : memref<1x8x1024xf32, #tpu.memory_space<hbm>> -> memref<8x1024xf32, #tpu.memory_space<hbm>>
      tpu.wait_dma2 semaphore(%arg17 : memref<!tpu.dma_semaphore, #tpu.memory_space<semaphore_mem>>) src(%dma_wait3A_98 : memref<8x1024xf32, #tpu.memory_space<hbm>>) dst(%arg7 : memref<8x1024xf32, #tpu.memory_space<vmem>>)
      %dma_wait3A_99 = arith.constant 0 : i32
      %dma_wait3A_100 = tpu.memref_slice %arg3[%add3A_77, %dma_wait3A_99] : memref<8192x1024xf32, #tpu.memory_space<hbm>> -> memref<8x1024xf32, #tpu.memory_space<hbm>>
      %dma_wait3A_101 = arith.constant 0 : i32
      %dma_wait3A_102 = tpu.memref_slice %arg3[%add3A_77, %dma_wait3A_101] : memref<8192x1024xf32, #tpu.memory_space<hbm>> -> memref<8x1024xf32, #tpu.memory_space<hbm>>
      tpu.wait_dma2 semaphore(%arg15 : memref<!tpu.dma_semaphore, #tpu.memory_space<semaphore_mem>>) src(%dma_wait3A_102 : memref<8x1024xf32, #tpu.memory_space<hbm>>) dst(%arg5 : memref<8x1024xf32, #tpu.memory_space<vmem>>)
      %add3A_103 = arith.constant 8 : i32
      %add3A_104 = arith.addi %add3A_77, %add3A_103 : i32
      %dma_start3A_105 = arith.constant 0 : i32
      %dma_start3A_106 = tpu.memref_slice %arg3[%add3A_104, %dma_start3A_105] : memref<8192x1024xf32, #tpu.memory_space<hbm>> -> memref<8x1024xf32, #tpu.memory_space<hbm>>
      %dma_start3A_107 = arith.constant 0 : i32
      %dma_start3A_108 = tpu.memref_slice %arg3[%add3A_104, %dma_start3A_107] : memref<8192x1024xf32, #tpu.memory_space<hbm>> -> memref<8x1024xf32, #tpu.memory_space<hbm>>
      tpu.enqueue_dma source(%dma_start3A_108 : memref<8x1024xf32, #tpu.memory_space<hbm>>) target(%arg6 : memref<8x1024xf32, #tpu.memory_space<vmem>>) target_semaphore(%arg16 : memref<!tpu.dma_semaphore, #tpu.memory_space<semaphore_mem>>)
      %parallel_loop3A = arith.constant 0 : i32
      %parallel_loop3A_109 = arith.constant 512 : i32
      %parallel_loop3A_110 = arith.constant 1 : i32
      scf.for %parallel_loop3A_414 = %parallel_loop3A to %parallel_loop3A_109 step %parallel_loop3A_110  : i32 {
        %parallel_loop3A_415 = arith.constant 64 : i32
        %parallel_loop3A_416 = arith.divsi %parallel_loop3A_414, %parallel_loop3A_415 : i32
        %parallel_loop3A_417 = arith.constant 0 : i32
        %parallel_loop3A_418 = arith.cmpi sgt, %parallel_loop3A_414, %parallel_loop3A_417 : i32
        %parallel_loop3A_419 = arith.extui %parallel_loop3A_418 : i1 to i32
        %parallel_loop3A_420 = arith.constant 0 : i32
        %parallel_loop3A_421 = arith.cmpi slt, %parallel_loop3A_414, %parallel_loop3A_420 : i32
        %parallel_loop3A_422 = arith.extui %parallel_loop3A_421 : i1 to i32
        %parallel_loop3A_423 = arith.subi %parallel_loop3A_419, %parallel_loop3A_422 : i32
        %parallel_loop3A_424 = arith.constant 0 : i32
        %parallel_loop3A_425 = arith.cmpi sgt, %parallel_loop3A_415, %parallel_loop3A_424 : i32
        %parallel_loop3A_426 = arith.extui %parallel_loop3A_425 : i1 to i32
        %parallel_loop3A_427 = arith.constant 0 : i32
        %parallel_loop3A_428 = arith.cmpi slt, %parallel_loop3A_415, %parallel_loop3A_427 : i32
        %parallel_loop3A_429 = arith.extui %parallel_loop3A_428 : i1 to i32
        %parallel_loop3A_430 = arith.subi %parallel_loop3A_426, %parallel_loop3A_429 : i32
        %parallel_loop3A_431 = arith.cmpi ne, %parallel_loop3A_423, %parallel_loop3A_430 : i32
        %parallel_loop3A_432 = arith.remsi %parallel_loop3A_414, %parallel_loop3A_415 : i32
        %parallel_loop3A_433 = arith.constant 0 : i32
        %parallel_loop3A_434 = arith.cmpi ne, %parallel_loop3A_432, %parallel_loop3A_433 : i32
        %parallel_loop3A_435 = arith.andi %parallel_loop3A_431, %parallel_loop3A_434 : i1
        %parallel_loop3A_436 = arith.constant 1 : i32
        %parallel_loop3A_437 = arith.subi %parallel_loop3A_416, %parallel_loop3A_436 : i32
        %parallel_loop3A_438 = arith.select %parallel_loop3A_435, %parallel_loop3A_437, %parallel_loop3A_416 : i32
        %parallel_loop3A_439 = arith.constant 64 : i32
        %parallel_loop3A_440 = arith.constant 0 : i32
        %parallel_loop3A_441 = arith.cmpi eq, %parallel_loop3A_439, %parallel_loop3A_440 : i32
        %parallel_loop3A_442 = arith.constant 1 : i32
        %parallel_loop3A_443 = arith.select %parallel_loop3A_441, %parallel_loop3A_442, %parallel_loop3A_439 : i32
        %parallel_loop3A_444 = arith.remsi %parallel_loop3A_414, %parallel_loop3A_443 : i32
        %parallel_loop3A_445 = arith.constant 0 : i32
        %parallel_loop3A_446 = arith.cmpi ne, %parallel_loop3A_444, %parallel_loop3A_445 : i32
        %parallel_loop3A_447 = arith.constant 0 : i32
        %parallel_loop3A_448 = arith.cmpi slt, %parallel_loop3A_444, %parallel_loop3A_447 : i32
        %parallel_loop3A_449 = arith.constant 0 : i32
        %parallel_loop3A_450 = arith.cmpi slt, %parallel_loop3A_443, %parallel_loop3A_449 : i32
        %parallel_loop3A_451 = arith.xori %parallel_loop3A_448, %parallel_loop3A_450 : i1
        %parallel_loop3A_452 = arith.andi %parallel_loop3A_451, %parallel_loop3A_446 : i1
        %parallel_loop3A_453 = arith.addi %parallel_loop3A_444, %parallel_loop3A_443 : i32
        %parallel_loop3A_454 = arith.select %parallel_loop3A_452, %parallel_loop3A_453, %parallel_loop3A_444 : i32
        %parallel_loop3A_455 = arith.constant 16 : i32
        %parallel_loop3A_456 = arith.muli %parallel_loop3A_454, %parallel_loop3A_455 : i32
        %parallel_loop3A_457 = arith.index_cast %parallel_loop3A_438 : i32 to index
        %parallel_loop3A_458 = arith.index_cast %parallel_loop3A_456 : i32 to index
        %parallel_loop3A_459 = tpu.vector_load %arg5[%parallel_loop3A_457, %parallel_loop3A_458] {strides = array<i32>} : memref<8x1024xf32, #tpu.memory_space<vmem>>, vector<1x16xf32>,
        %parallel_loop3A_460 = vector.shape_cast %parallel_loop3A_459 : vector<1x16xf32> to vector<16xf32>
        %parallel_loop3A_461 = arith.index_cast %parallel_loop3A_438 : i32 to index
        %parallel_loop3A_462 = arith.index_cast %parallel_loop3A_456 : i32 to index
        %parallel_loop3A_463 = tpu.vector_load %arg7[%parallel_loop3A_461, %parallel_loop3A_462] {strides = array<i32>} : memref<8x1024xf32, #tpu.memory_space<vmem>>, vector<1x16xf32>,
        %parallel_loop3A_464 = vector.shape_cast %parallel_loop3A_463 : vector<1x16xf32> to vector<16xf32>
        %parallel_loop3A_465 = vector.shape_cast %parallel_loop3A_460 : vector<16xf32> to vector<1x16xf32>
        tpu.vector_store %arg7[%parallel_loop3A_461, %parallel_loop3A_462], %parallel_loop3A_465 {add = true, strides = array<i32>} : memref<8x1024xf32, #tpu.memory_space<vmem>>, vector<1x16xf32>,
      } {sc.loop_unroll_factor = 8 : i64, sc.parallel_access}
      %dma_start3A_111 = arith.constant 0 : i32
      %dma_start3A_112 = arith.constant 0 : i32
      %dma_start3A_113 = tpu.memref_slice %arg4[%dma_start3A_111, %add3A_77, %dma_start3A_112] : memref<4x8192x1024xf32, #tpu.memory_space<hbm>> -> memref<1x8x1024xf32, #tpu.memory_space<hbm>>
      %dma_start3A_114 = tpu.memref_squeeze %dma_start3A_113 : memref<1x8x1024xf32, #tpu.memory_space<hbm>> -> memref<8x1024xf32, #tpu.memory_space<hbm>>
      %dma_start3A_115 = arith.constant 0 : i32
      %dma_start3A_116 = tpu.memref_slice %arg4[%dma_start3A_111, %add3A_77, %dma_start3A_115] : memref<4x8192x1024xf32, #tpu.memory_space<hbm>> -> memref<1x8x1024xf32, #tpu.memory_space<hbm>>
      %dma_start3A_117 = tpu.memref_squeeze %dma_start3A_116 : memref<1x8x1024xf32, #tpu.memory_space<hbm>> -> memref<8x1024xf32, #tpu.memory_space<hbm>>
      tpu.enqueue_dma source(%arg7 : memref<8x1024xf32, #tpu.memory_space<vmem>>) target(%dma_start3A_117 : memref<8x1024xf32, #tpu.memory_space<hbm>>) target_semaphore(%arg25 : memref<!tpu.dma_semaphore, #tpu.memory_space<semaphore_mem>>)
      %mul3A_118 = arith.constant 2 : i32
      %mul3A_119 = arith.muli %mul3A_118, %scan3A_69 : i32
      %add3A_120 = arith.constant 0 : i32
      %add3A_121 = arith.addi %mul3A_119, %add3A_120 : i32
      %mul3A_122 = arith.constant 8 : i32
      %mul3A_123 = arith.muli %add3A_121, %mul3A_122 : i32
      %add3A_124 = arith.addi %mul3A_2, %mul3A_123 : i32
      %gt3A_125 = arith.constant 0 : i32
      %gt3A_126 = arith.cmpi sgt, %scan3A_69, %gt3A_125 : i32
      %convert_element_type3A_127 = arith.extui %gt3A_126 : i1 to i32
      %cond3A_128 = arith.constant 0 : i32
      %cond3A_129 = arith.cmpi ne, %convert_element_type3A_127, %cond3A_128 : i32
      scf.if %cond3A_129 {
        %dma_wait3A_414 = arith.constant 0 : i32
        %dma_wait3A_415 = arith.constant 0 : i32
        %dma_wait3A_416 = tpu.memref_slice %arg4[%dma_wait3A_414, %add3A_124, %dma_wait3A_415] : memref<4x8192x1024xf32, #tpu.memory_space<hbm>> -> memref<1x8x1024xf32, #tpu.memory_space<hbm>>
        %dma_wait3A_417 = tpu.memref_squeeze %dma_wait3A_416 : memref<1x8x1024xf32, #tpu.memory_space<hbm>> -> memref<8x1024xf32, #tpu.memory_space<hbm>>
        %dma_wait3A_418 = arith.constant 0 : i32
        %dma_wait3A_419 = tpu.memref_slice %arg4[%dma_wait3A_414, %add3A_124, %dma_wait3A_418] : memref<4x8192x1024xf32, #tpu.memory_space<hbm>> -> memref<1x8x1024xf32, #tpu.memory_space<hbm>>
        %dma_wait3A_420 = tpu.memref_squeeze %dma_wait3A_419 : memref<1x8x1024xf32, #tpu.memory_space<hbm>> -> memref<8x1024xf32, #tpu.memory_space<hbm>>
        tpu.wait_dma2 semaphore(%arg30 : memref<!tpu.dma_semaphore, #tpu.memory_space<semaphore_mem>>) src(%arg12 : memref<8x1024xf32, #tpu.memory_space<vmem>>) dst(%dma_wait3A_420 : memref<8x1024xf32, #tpu.memory_space<hbm>>)
      } else {
      }
      %add3A_130 = arith.constant 1 : i32
      %add3A_131 = arith.addi %add3A_121, %add3A_130 : i32
      %mul3A_132 = arith.constant 8 : i32
      %mul3A_133 = arith.muli %add3A_131, %mul3A_132 : i32
      %add3A_134 = arith.addi %mul3A_2, %mul3A_133 : i32
      %dma_start3A_135 = arith.constant 1 : i32
      %dma_start3A_136 = arith.constant 0 : i32
      %dma_start3A_137 = tpu.memref_slice %arg2[%dma_start3A_135, %add3A_134, %dma_start3A_136] : memref<4x8192x1024xf32, #tpu.memory_space<hbm>> -> memref<1x8x1024xf32, #tpu.memory_space<hbm>>
      %dma_start3A_138 = tpu.memref_squeeze %dma_start3A_137 : memref<1x8x1024xf32, #tpu.memory_space<hbm>> -> memref<8x1024xf32, #tpu.memory_space<hbm>>
      %dma_start3A_139 = arith.constant 0 : i32
      %dma_start3A_140 = tpu.memref_slice %arg2[%dma_start3A_135, %add3A_134, %dma_start3A_139] : memref<4x8192x1024xf32, #tpu.memory_space<hbm>> -> memref<1x8x1024xf32, #tpu.memory_space<hbm>>
      %dma_start3A_141 = tpu.memref_squeeze %dma_start3A_140 : memref<1x8x1024xf32, #tpu.memory_space<hbm>> -> memref<8x1024xf32, #tpu.memory_space<hbm>>
      tpu.enqueue_dma source(%dma_start3A_141 : memref<8x1024xf32, #tpu.memory_space<hbm>>) target(%arg12 : memref<8x1024xf32, #tpu.memory_space<vmem>>) target_semaphore(%arg22 : memref<!tpu.dma_semaphore, #tpu.memory_space<semaphore_mem>>)
      %dma_wait3A_142 = arith.constant 1 : i32
      %dma_wait3A_143 = arith.constant 0 : i32
      %dma_wait3A_144 = tpu.memref_slice %arg2[%dma_wait3A_142, %add3A_124, %dma_wait3A_143] : memref<4x8192x1024xf32, #tpu.memory_space<hbm>> -> memref<1x8x1024xf32, #tpu.memory_space<hbm>>
      %dma_wait3A_145 = tpu.memref_squeeze %dma_wait3A_144 : memref<1x8x1024xf32, #tpu.memory_space<hbm>> -> memref<8x1024xf32, #tpu.memory_space<hbm>>
      %dma_wait3A_146 = arith.constant 0 : i32
      %dma_wait3A_147 = tpu.memref_slice %arg2[%dma_wait3A_142, %add3A_124, %dma_wait3A_146] : memref<4x8192x1024xf32, #tpu.memory_space<hbm>> -> memref<1x8x1024xf32, #tpu.memory_space<hbm>>
      %dma_wait3A_148 = tpu.memref_squeeze %dma_wait3A_147 : memref<1x8x1024xf32, #tpu.memory_space<hbm>> -> memref<8x1024xf32, #tpu.memory_space<hbm>>
      tpu.wait_dma2 semaphore(%arg18 : memref<!tpu.dma_semaphore, #tpu.memory_space<semaphore_mem>>) src(%dma_wait3A_148 : memref<8x1024xf32, #tpu.memory_space<hbm>>) dst(%arg8 : memref<8x1024xf32, #tpu.memory_space<vmem>>)
      %parallel_loop3A_149 = arith.constant 0 : i32
      %parallel_loop3A_150 = arith.constant 512 : i32
      %parallel_loop3A_151 = arith.constant 1 : i32
      scf.for %parallel_loop3A_414 = %parallel_loop3A_149 to %parallel_loop3A_150 step %parallel_loop3A_151  : i32 {
        %parallel_loop3A_415 = arith.constant 64 : i32
        %parallel_loop3A_416 = arith.divsi %parallel_loop3A_414, %parallel_loop3A_415 : i32
        %parallel_loop3A_417 = arith.constant 0 : i32
        %parallel_loop3A_418 = arith.cmpi sgt, %parallel_loop3A_414, %parallel_loop3A_417 : i32
        %parallel_loop3A_419 = arith.extui %parallel_loop3A_418 : i1 to i32
        %parallel_loop3A_420 = arith.constant 0 : i32
        %parallel_loop3A_421 = arith.cmpi slt, %parallel_loop3A_414, %parallel_loop3A_420 : i32
        %parallel_loop3A_422 = arith.extui %parallel_loop3A_421 : i1 to i32
        %parallel_loop3A_423 = arith.subi %parallel_loop3A_419, %parallel_loop3A_422 : i32
        %parallel_loop3A_424 = arith.constant 0 : i32
        %parallel_loop3A_425 = arith.cmpi sgt, %parallel_loop3A_415, %parallel_loop3A_424 : i32
        %parallel_loop3A_426 = arith.extui %parallel_loop3A_425 : i1 to i32
        %parallel_loop3A_427 = arith.constant 0 : i32
        %parallel_loop3A_428 = arith.cmpi slt, %parallel_loop3A_415, %parallel_loop3A_427 : i32
        %parallel_loop3A_429 = arith.extui %parallel_loop3A_428 : i1 to i32
        %parallel_loop3A_430 = arith.subi %parallel_loop3A_426, %parallel_loop3A_429 : i32
        %parallel_loop3A_431 = arith.cmpi ne, %parallel_loop3A_423, %parallel_loop3A_430 : i32
        %parallel_loop3A_432 = arith.remsi %parallel_loop3A_414, %parallel_loop3A_415 : i32
        %parallel_loop3A_433 = arith.constant 0 : i32
        %parallel_loop3A_434 = arith.cmpi ne, %parallel_loop3A_432, %parallel_loop3A_433 : i32
        %parallel_loop3A_435 = arith.andi %parallel_loop3A_431, %parallel_loop3A_434 : i1
        %parallel_loop3A_436 = arith.constant 1 : i32
        %parallel_loop3A_437 = arith.subi %parallel_loop3A_416, %parallel_loop3A_436 : i32
        %parallel_loop3A_438 = arith.select %parallel_loop3A_435, %parallel_loop3A_437, %parallel_loop3A_416 : i32
        %parallel_loop3A_439 = arith.constant 64 : i32
        %parallel_loop3A_440 = arith.constant 0 : i32
        %parallel_loop3A_441 = arith.cmpi eq, %parallel_loop3A_439, %parallel_loop3A_440 : i32
        %parallel_loop3A_442 = arith.constant 1 : i32
        %parallel_loop3A_443 = arith.select %parallel_loop3A_441, %parallel_loop3A_442, %parallel_loop3A_439 : i32
        %parallel_loop3A_444 = arith.remsi %parallel_loop3A_414, %parallel_loop3A_443 : i32
        %parallel_loop3A_445 = arith.constant 0 : i32
        %parallel_loop3A_446 = arith.cmpi ne, %parallel_loop3A_444, %parallel_loop3A_445 : i32
        %parallel_loop3A_447 = arith.constant 0 : i32
        %parallel_loop3A_448 = arith.cmpi slt, %parallel_loop3A_444, %parallel_loop3A_447 : i32
        %parallel_loop3A_449 = arith.constant 0 : i32
        %parallel_loop3A_450 = arith.cmpi slt, %parallel_loop3A_443, %parallel_loop3A_449 : i32
        %parallel_loop3A_451 = arith.xori %parallel_loop3A_448, %parallel_loop3A_450 : i1
        %parallel_loop3A_452 = arith.andi %parallel_loop3A_451, %parallel_loop3A_446 : i1
        %parallel_loop3A_453 = arith.addi %parallel_loop3A_444, %parallel_loop3A_443 : i32
        %parallel_loop3A_454 = arith.select %parallel_loop3A_452, %parallel_loop3A_453, %parallel_loop3A_444 : i32
        %parallel_loop3A_455 = arith.constant 16 : i32
        %parallel_loop3A_456 = arith.muli %parallel_loop3A_454, %parallel_loop3A_455 : i32
        %parallel_loop3A_457 = arith.index_cast %parallel_loop3A_438 : i32 to index
        %parallel_loop3A_458 = arith.index_cast %parallel_loop3A_456 : i32 to index
        %parallel_loop3A_459 = tpu.vector_load %arg5[%parallel_loop3A_457, %parallel_loop3A_458] {strides = array<i32>} : memref<8x1024xf32, #tpu.memory_space<vmem>>, vector<1x16xf32>,
        %parallel_loop3A_460 = vector.shape_cast %parallel_loop3A_459 : vector<1x16xf32> to vector<16xf32>
        %parallel_loop3A_461 = arith.index_cast %parallel_loop3A_438 : i32 to index
        %parallel_loop3A_462 = arith.index_cast %parallel_loop3A_456 : i32 to index
        %parallel_loop3A_463 = tpu.vector_load %arg8[%parallel_loop3A_461, %parallel_loop3A_462] {strides = array<i32>} : memref<8x1024xf32, #tpu.memory_space<vmem>>, vector<1x16xf32>,
        %parallel_loop3A_464 = vector.shape_cast %parallel_loop3A_463 : vector<1x16xf32> to vector<16xf32>
        %parallel_loop3A_465 = vector.shape_cast %parallel_loop3A_460 : vector<16xf32> to vector<1x16xf32>
        tpu.vector_store %arg8[%parallel_loop3A_461, %parallel_loop3A_462], %parallel_loop3A_465 {add = true, strides = array<i32>} : memref<8x1024xf32, #tpu.memory_space<vmem>>, vector<1x16xf32>,
      } {sc.loop_unroll_factor = 8 : i64, sc.parallel_access}
      %dma_start3A_152 = arith.constant 1 : i32
      %dma_start3A_153 = arith.constant 0 : i32
      %dma_start3A_154 = tpu.memref_slice %arg4[%dma_start3A_152, %add3A_124, %dma_start3A_153] : memref<4x8192x1024xf32, #tpu.memory_space<hbm>> -> memref<1x8x1024xf32, #tpu.memory_space<hbm>>
      %dma_start3A_155 = tpu.memref_squeeze %dma_start3A_154 : memref<1x8x1024xf32, #tpu.memory_space<hbm>> -> memref<8x1024xf32, #tpu.memory_space<hbm>>
      %dma_start3A_156 = arith.constant 0 : i32
      %dma_start3A_157 = tpu.memref_slice %arg4[%dma_start3A_152, %add3A_124, %dma_start3A_156] : memref<4x8192x1024xf32, #tpu.memory_space<hbm>> -> memref<1x8x1024xf32, #tpu.memory_space<hbm>>
      %dma_start3A_158 = tpu.memref_squeeze %dma_start3A_157 : memref<1x8x1024xf32, #tpu.memory_space<hbm>> -> memref<8x1024xf32, #tpu.memory_space<hbm>>
      tpu.enqueue_dma source(%arg8 : memref<8x1024xf32, #tpu.memory_space<vmem>>) target(%dma_start3A_158 : memref<8x1024xf32, #tpu.memory_space<hbm>>) target_semaphore(%arg26 : memref<!tpu.dma_semaphore, #tpu.memory_space<semaphore_mem>>)
      %mul3A_159 = arith.constant 2 : i32
      %mul3A_160 = arith.muli %mul3A_159, %scan3A_69 : i32
      %add3A_161 = arith.constant 0 : i32
      %add3A_162 = arith.addi %mul3A_160, %add3A_161 : i32
      %mul3A_163 = arith.constant 8 : i32
      %mul3A_164 = arith.muli %add3A_162, %mul3A_163 : i32
      %add3A_165 = arith.addi %mul3A_2, %mul3A_164 : i32
      %gt3A_166 = arith.constant 0 : i32
      %gt3A_167 = arith.cmpi sgt, %scan3A_69, %gt3A_166 : i32
      %convert_element_type3A_168 = arith.extui %gt3A_167 : i1 to i32
      %cond3A_169 = arith.constant 0 : i32
      %cond3A_170 = arith.cmpi ne, %convert_element_type3A_168, %cond3A_169 : i32
      scf.if %cond3A_170 {
        %dma_wait3A_414 = arith.constant 0 : i32
        %dma_wait3A_415 = arith.constant 0 : i32
        %dma_wait3A_416 = tpu.memref_slice %arg4[%dma_wait3A_414, %add3A_165, %dma_wait3A_415] : memref<4x8192x1024xf32, #tpu.memory_space<hbm>> -> memref<1x8x1024xf32, #tpu.memory_space<hbm>>
        %dma_wait3A_417 = tpu.memref_squeeze %dma_wait3A_416 : memref<1x8x1024xf32, #tpu.memory_space<hbm>> -> memref<8x1024xf32, #tpu.memory_space<hbm>>
        %dma_wait3A_418 = arith.constant 0 : i32
        %dma_wait3A_419 = tpu.memref_slice %arg4[%dma_wait3A_414, %add3A_165, %dma_wait3A_418] : memref<4x8192x1024xf32, #tpu.memory_space<hbm>> -> memref<1x8x1024xf32, #tpu.memory_space<hbm>>
        %dma_wait3A_420 = tpu.memref_squeeze %dma_wait3A_419 : memref<1x8x1024xf32, #tpu.memory_space<hbm>> -> memref<8x1024xf32, #tpu.memory_space<hbm>>
        tpu.wait_dma2 semaphore(%arg31 : memref<!tpu.dma_semaphore, #tpu.memory_space<semaphore_mem>>) src(%arg13 : memref<8x1024xf32, #tpu.memory_space<vmem>>) dst(%dma_wait3A_420 : memref<8x1024xf32, #tpu.memory_space<hbm>>)
      } else {
      }
      %add3A_171 = arith.constant 1 : i32
      %add3A_172 = arith.addi %add3A_162, %add3A_171 : i32
      %mul3A_173 = arith.constant 8 : i32
      %mul3A_174 = arith.muli %add3A_172, %mul3A_173 : i32
      %add3A_175 = arith.addi %mul3A_2, %mul3A_174 : i32
      %dma_start3A_176 = arith.constant 2 : i32
      %dma_start3A_177 = arith.constant 0 : i32
      %dma_start3A_178 = tpu.memref_slice %arg2[%dma_start3A_176, %add3A_175, %dma_start3A_177] : memref<4x8192x1024xf32, #tpu.memory_space<hbm>> -> memref<1x8x1024xf32, #tpu.memory_space<hbm>>
      %dma_start3A_179 = tpu.memref_squeeze %dma_start3A_178 : memref<1x8x1024xf32, #tpu.memory_space<hbm>> -> memref<8x1024xf32, #tpu.memory_space<hbm>>
      %dma_start3A_180 = arith.constant 0 : i32
      %dma_start3A_181 = tpu.memref_slice %arg2[%dma_start3A_176, %add3A_175, %dma_start3A_180] : memref<4x8192x1024xf32, #tpu.memory_space<hbm>> -> memref<1x8x1024xf32, #tpu.memory_space<hbm>>
      %dma_start3A_182 = tpu.memref_squeeze %dma_start3A_181 : memref<1x8x1024xf32, #tpu.memory_space<hbm>> -> memref<8x1024xf32, #tpu.memory_space<hbm>>
      tpu.enqueue_dma source(%dma_start3A_182 : memref<8x1024xf32, #tpu.memory_space<hbm>>) target(%arg13 : memref<8x1024xf32, #tpu.memory_space<vmem>>) target_semaphore(%arg23 : memref<!tpu.dma_semaphore, #tpu.memory_space<semaphore_mem>>)
      %dma_wait3A_183 = arith.constant 2 : i32
      %dma_wait3A_184 = arith.constant 0 : i32
      %dma_wait3A_185 = tpu.memref_slice %arg2[%dma_wait3A_183, %add3A_165, %dma_wait3A_184] : memref<4x8192x1024xf32, #tpu.memory_space<hbm>> -> memref<1x8x1024xf32, #tpu.memory_space<hbm>>
      %dma_wait3A_186 = tpu.memref_squeeze %dma_wait3A_185 : memref<1x8x1024xf32, #tpu.memory_space<hbm>> -> memref<8x1024xf32, #tpu.memory_space<hbm>>
      %dma_wait3A_187 = arith.constant 0 : i32
      %dma_wait3A_188 = tpu.memref_slice %arg2[%dma_wait3A_183, %add3A_165, %dma_wait3A_187] : memref<4x8192x1024xf32, #tpu.memory_space<hbm>> -> memref<1x8x1024xf32, #tpu.memory_space<hbm>>
      %dma_wait3A_189 = tpu.memref_squeeze %dma_wait3A_188 : memref<1x8x1024xf32, #tpu.memory_space<hbm>> -> memref<8x1024xf32, #tpu.memory_space<hbm>>
      tpu.wait_dma2 semaphore(%arg19 : memref<!tpu.dma_semaphore, #tpu.memory_space<semaphore_mem>>) src(%dma_wait3A_189 : memref<8x1024xf32, #tpu.memory_space<hbm>>) dst(%arg9 : memref<8x1024xf32, #tpu.memory_space<vmem>>)
      %parallel_loop3A_190 = arith.constant 0 : i32
      %parallel_loop3A_191 = arith.constant 512 : i32
      %parallel_loop3A_192 = arith.constant 1 : i32
      scf.for %parallel_loop3A_414 = %parallel_loop3A_190 to %parallel_loop3A_191 step %parallel_loop3A_192  : i32 {
        %parallel_loop3A_415 = arith.constant 64 : i32
        %parallel_loop3A_416 = arith.divsi %parallel_loop3A_414, %parallel_loop3A_415 : i32
        %parallel_loop3A_417 = arith.constant 0 : i32
        %parallel_loop3A_418 = arith.cmpi sgt, %parallel_loop3A_414, %parallel_loop3A_417 : i32
        %parallel_loop3A_419 = arith.extui %parallel_loop3A_418 : i1 to i32
        %parallel_loop3A_420 = arith.constant 0 : i32
        %parallel_loop3A_421 = arith.cmpi slt, %parallel_loop3A_414, %parallel_loop3A_420 : i32
        %parallel_loop3A_422 = arith.extui %parallel_loop3A_421 : i1 to i32
        %parallel_loop3A_423 = arith.subi %parallel_loop3A_419, %parallel_loop3A_422 : i32
        %parallel_loop3A_424 = arith.constant 0 : i32
        %parallel_loop3A_425 = arith.cmpi sgt, %parallel_loop3A_415, %parallel_loop3A_424 : i32
        %parallel_loop3A_426 = arith.extui %parallel_loop3A_425 : i1 to i32
        %parallel_loop3A_427 = arith.constant 0 : i32
        %parallel_loop3A_428 = arith.cmpi slt, %parallel_loop3A_415, %parallel_loop3A_427 : i32
        %parallel_loop3A_429 = arith.extui %parallel_loop3A_428 : i1 to i32
        %parallel_loop3A_430 = arith.subi %parallel_loop3A_426, %parallel_loop3A_429 : i32
        %parallel_loop3A_431 = arith.cmpi ne, %parallel_loop3A_423, %parallel_loop3A_430 : i32
        %parallel_loop3A_432 = arith.remsi %parallel_loop3A_414, %parallel_loop3A_415 : i32
        %parallel_loop3A_433 = arith.constant 0 : i32
        %parallel_loop3A_434 = arith.cmpi ne, %parallel_loop3A_432, %parallel_loop3A_433 : i32
        %parallel_loop3A_435 = arith.andi %parallel_loop3A_431, %parallel_loop3A_434 : i1
        %parallel_loop3A_436 = arith.constant 1 : i32
        %parallel_loop3A_437 = arith.subi %parallel_loop3A_416, %parallel_loop3A_436 : i32
        %parallel_loop3A_438 = arith.select %parallel_loop3A_435, %parallel_loop3A_437, %parallel_loop3A_416 : i32
        %parallel_loop3A_439 = arith.constant 64 : i32
        %parallel_loop3A_440 = arith.constant 0 : i32
        %parallel_loop3A_441 = arith.cmpi eq, %parallel_loop3A_439, %parallel_loop3A_440 : i32
        %parallel_loop3A_442 = arith.constant 1 : i32
        %parallel_loop3A_443 = arith.select %parallel_loop3A_441, %parallel_loop3A_442, %parallel_loop3A_439 : i32
        %parallel_loop3A_444 = arith.remsi %parallel_loop3A_414, %parallel_loop3A_443 : i32
        %parallel_loop3A_445 = arith.constant 0 : i32
        %parallel_loop3A_446 = arith.cmpi ne, %parallel_loop3A_444, %parallel_loop3A_445 : i32
        %parallel_loop3A_447 = arith.constant 0 : i32
        %parallel_loop3A_448 = arith.cmpi slt, %parallel_loop3A_444, %parallel_loop3A_447 : i32
        %parallel_loop3A_449 = arith.constant 0 : i32
        %parallel_loop3A_450 = arith.cmpi slt, %parallel_loop3A_443, %parallel_loop3A_449 : i32
        %parallel_loop3A_451 = arith.xori %parallel_loop3A_448, %parallel_loop3A_450 : i1
        %parallel_loop3A_452 = arith.andi %parallel_loop3A_451, %parallel_loop3A_446 : i1
        %parallel_loop3A_453 = arith.addi %parallel_loop3A_444, %parallel_loop3A_443 : i32
        %parallel_loop3A_454 = arith.select %parallel_loop3A_452, %parallel_loop3A_453, %parallel_loop3A_444 : i32
        %parallel_loop3A_455 = arith.constant 16 : i32
        %parallel_loop3A_456 = arith.muli %parallel_loop3A_454, %parallel_loop3A_455 : i32
        %parallel_loop3A_457 = arith.index_cast %parallel_loop3A_438 : i32 to index
        %parallel_loop3A_458 = arith.index_cast %parallel_loop3A_456 : i32 to index
        %parallel_loop3A_459 = tpu.vector_load %arg5[%parallel_loop3A_457, %parallel_loop3A_458] {strides = array<i32>} : memref<8x1024xf32, #tpu.memory_space<vmem>>, vector<1x16xf32>,
        %parallel_loop3A_460 = vector.shape_cast %parallel_loop3A_459 : vector<1x16xf32> to vector<16xf32>
        %parallel_loop3A_461 = arith.index_cast %parallel_loop3A_438 : i32 to index
        %parallel_loop3A_462 = arith.index_cast %parallel_loop3A_456 : i32 to index
        %parallel_loop3A_463 = tpu.vector_load %arg9[%parallel_loop3A_461, %parallel_loop3A_462] {strides = array<i32>} : memref<8x1024xf32, #tpu.memory_space<vmem>>, vector<1x16xf32>,
        %parallel_loop3A_464 = vector.shape_cast %parallel_loop3A_463 : vector<1x16xf32> to vector<16xf32>
        %parallel_loop3A_465 = vector.shape_cast %parallel_loop3A_460 : vector<16xf32> to vector<1x16xf32>
        tpu.vector_store %arg9[%parallel_loop3A_461, %parallel_loop3A_462], %parallel_loop3A_465 {add = true, strides = array<i32>} : memref<8x1024xf32, #tpu.memory_space<vmem>>, vector<1x16xf32>,
      } {sc.loop_unroll_factor = 8 : i64, sc.parallel_access}
      %dma_start3A_193 = arith.constant 2 : i32
      %dma_start3A_194 = arith.constant 0 : i32
      %dma_start3A_195 = tpu.memref_slice %arg4[%dma_start3A_193, %add3A_165, %dma_start3A_194] : memref<4x8192x1024xf32, #tpu.memory_space<hbm>> -> memref<1x8x1024xf32, #tpu.memory_space<hbm>>
      %dma_start3A_196 = tpu.memref_squeeze %dma_start3A_195 : memref<1x8x1024xf32, #tpu.memory_space<hbm>> -> memref<8x1024xf32, #tpu.memory_space<hbm>>
      %dma_start3A_197 = arith.constant 0 : i32
      %dma_start3A_198 = tpu.memref_slice %arg4[%dma_start3A_193, %add3A_165, %dma_start3A_197] : memref<4x8192x1024xf32, #tpu.memory_space<hbm>> -> memref<1x8x1024xf32, #tpu.memory_space<hbm>>
      %dma_start3A_199 = tpu.memref_squeeze %dma_start3A_198 : memref<1x8x1024xf32, #tpu.memory_space<hbm>> -> memref<8x1024xf32, #tpu.memory_space<hbm>>
      tpu.enqueue_dma source(%arg9 : memref<8x1024xf32, #tpu.memory_space<vmem>>) target(%dma_start3A_199 : memref<8x1024xf32, #tpu.memory_space<hbm>>) target_semaphore(%arg27 : memref<!tpu.dma_semaphore, #tpu.memory_space<semaphore_mem>>)
      %mul3A_200 = arith.constant 2 : i32
      %mul3A_201 = arith.muli %mul3A_200, %scan3A_69 : i32
      %add3A_202 = arith.constant 0 : i32
      %add3A_203 = arith.addi %mul3A_201, %add3A_202 : i32
      %mul3A_204 = arith.constant 8 : i32
      %mul3A_205 = arith.muli %add3A_203, %mul3A_204 : i32
      %add3A_206 = arith.addi %mul3A_2, %mul3A_205 : i32
      %gt3A_207 = arith.constant 0 : i32
      %gt3A_208 = arith.cmpi sgt, %scan3A_69, %gt3A_207 : i32
      %convert_element_type3A_209 = arith.extui %gt3A_208 : i1 to i32
      %cond3A_210 = arith.constant 0 : i32
      %cond3A_211 = arith.cmpi ne, %convert_element_type3A_209, %cond3A_210 : i32
      scf.if %cond3A_211 {
        %dma_wait3A_414 = arith.constant 0 : i32
        %dma_wait3A_415 = arith.constant 0 : i32
        %dma_wait3A_416 = tpu.memref_slice %arg4[%dma_wait3A_414, %add3A_206, %dma_wait3A_415] : memref<4x8192x1024xf32, #tpu.memory_space<hbm>> -> memref<1x8x1024xf32, #tpu.memory_space<hbm>>
        %dma_wait3A_417 = tpu.memref_squeeze %dma_wait3A_416 : memref<1x8x1024xf32, #tpu.memory_space<hbm>> -> memref<8x1024xf32, #tpu.memory_space<hbm>>
        %dma_wait3A_418 = arith.constant 0 : i32
        %dma_wait3A_419 = tpu.memref_slice %arg4[%dma_wait3A_414, %add3A_206, %dma_wait3A_418] : memref<4x8192x1024xf32, #tpu.memory_space<hbm>> -> memref<1x8x1024xf32, #tpu.memory_space<hbm>>
        %dma_wait3A_420 = tpu.memref_squeeze %dma_wait3A_419 : memref<1x8x1024xf32, #tpu.memory_space<hbm>> -> memref<8x1024xf32, #tpu.memory_space<hbm>>
        tpu.wait_dma2 semaphore(%arg32 : memref<!tpu.dma_semaphore, #tpu.memory_space<semaphore_mem>>) src(%arg14 : memref<8x1024xf32, #tpu.memory_space<vmem>>) dst(%dma_wait3A_420 : memref<8x1024xf32, #tpu.memory_space<hbm>>)
      } else {
      }
      %add3A_212 = arith.constant 1 : i32
      %add3A_213 = arith.addi %add3A_203, %add3A_212 : i32
      %mul3A_214 = arith.constant 8 : i32
      %mul3A_215 = arith.muli %add3A_213, %mul3A_214 : i32
      %add3A_216 = arith.addi %mul3A_2, %mul3A_215 : i32
      %dma_start3A_217 = arith.constant 3 : i32
      %dma_start3A_218 = arith.constant 0 : i32
      %dma_start3A_219 = tpu.memref_slice %arg2[%dma_start3A_217, %add3A_216, %dma_start3A_218] : memref<4x8192x1024xf32, #tpu.memory_space<hbm>> -> memref<1x8x1024xf32, #tpu.memory_space<hbm>>
      %dma_start3A_220 = tpu.memref_squeeze %dma_start3A_219 : memref<1x8x1024xf32, #tpu.memory_space<hbm>> -> memref<8x1024xf32, #tpu.memory_space<hbm>>
      %dma_start3A_221 = arith.constant 0 : i32
      %dma_start3A_222 = tpu.memref_slice %arg2[%dma_start3A_217, %add3A_216, %dma_start3A_221] : memref<4x8192x1024xf32, #tpu.memory_space<hbm>> -> memref<1x8x1024xf32, #tpu.memory_space<hbm>>
      %dma_start3A_223 = tpu.memref_squeeze %dma_start3A_222 : memref<1x8x1024xf32, #tpu.memory_space<hbm>> -> memref<8x1024xf32, #tpu.memory_space<hbm>>
      tpu.enqueue_dma source(%dma_start3A_223 : memref<8x1024xf32, #tpu.memory_space<hbm>>) target(%arg14 : memref<8x1024xf32, #tpu.memory_space<vmem>>) target_semaphore(%arg24 : memref<!tpu.dma_semaphore, #tpu.memory_space<semaphore_mem>>)
      %dma_wait3A_224 = arith.constant 3 : i32
      %dma_wait3A_225 = arith.constant 0 : i32
      %dma_wait3A_226 = tpu.memref_slice %arg2[%dma_wait3A_224, %add3A_206, %dma_wait3A_225] : memref<4x8192x1024xf32, #tpu.memory_space<hbm>> -> memref<1x8x1024xf32, #tpu.memory_space<hbm>>
      %dma_wait3A_227 = tpu.memref_squeeze %dma_wait3A_226 : memref<1x8x1024xf32, #tpu.memory_space<hbm>> -> memref<8x1024xf32, #tpu.memory_space<hbm>>
      %dma_wait3A_228 = arith.constant 0 : i32
      %dma_wait3A_229 = tpu.memref_slice %arg2[%dma_wait3A_224, %add3A_206, %dma_wait3A_228] : memref<4x8192x1024xf32, #tpu.memory_space<hbm>> -> memref<1x8x1024xf32, #tpu.memory_space<hbm>>
      %dma_wait3A_230 = tpu.memref_squeeze %dma_wait3A_229 : memref<1x8x1024xf32, #tpu.memory_space<hbm>> -> memref<8x1024xf32, #tpu.memory_space<hbm>>
      tpu.wait_dma2 semaphore(%arg20 : memref<!tpu.dma_semaphore, #tpu.memory_space<semaphore_mem>>) src(%dma_wait3A_230 : memref<8x1024xf32, #tpu.memory_space<hbm>>) dst(%arg10 : memref<8x1024xf32, #tpu.memory_space<vmem>>)
      %parallel_loop3A_231 = arith.constant 0 : i32
      %parallel_loop3A_232 = arith.constant 512 : i32
      %parallel_loop3A_233 = arith.constant 1 : i32
      scf.for %parallel_loop3A_414 = %parallel_loop3A_231 to %parallel_loop3A_232 step %parallel_loop3A_233  : i32 {
        %parallel_loop3A_415 = arith.constant 64 : i32
        %parallel_loop3A_416 = arith.divsi %parallel_loop3A_414, %parallel_loop3A_415 : i32
        %parallel_loop3A_417 = arith.constant 0 : i32
        %parallel_loop3A_418 = arith.cmpi sgt, %parallel_loop3A_414, %parallel_loop3A_417 : i32
        %parallel_loop3A_419 = arith.extui %parallel_loop3A_418 : i1 to i32
        %parallel_loop3A_420 = arith.constant 0 : i32
        %parallel_loop3A_421 = arith.cmpi slt, %parallel_loop3A_414, %parallel_loop3A_420 : i32
        %parallel_loop3A_422 = arith.extui %parallel_loop3A_421 : i1 to i32
        %parallel_loop3A_423 = arith.subi %parallel_loop3A_419, %parallel_loop3A_422 : i32
        %parallel_loop3A_424 = arith.constant 0 : i32
        %parallel_loop3A_425 = arith.cmpi sgt, %parallel_loop3A_415, %parallel_loop3A_424 : i32
        %parallel_loop3A_426 = arith.extui %parallel_loop3A_425 : i1 to i32
        %parallel_loop3A_427 = arith.constant 0 : i32
        %parallel_loop3A_428 = arith.cmpi slt, %parallel_loop3A_415, %parallel_loop3A_427 : i32
        %parallel_loop3A_429 = arith.extui %parallel_loop3A_428 : i1 to i32
        %parallel_loop3A_430 = arith.subi %parallel_loop3A_426, %parallel_loop3A_429 : i32
        %parallel_loop3A_431 = arith.cmpi ne, %parallel_loop3A_423, %parallel_loop3A_430 : i32
        %parallel_loop3A_432 = arith.remsi %parallel_loop3A_414, %parallel_loop3A_415 : i32
        %parallel_loop3A_433 = arith.constant 0 : i32
        %parallel_loop3A_434 = arith.cmpi ne, %parallel_loop3A_432, %parallel_loop3A_433 : i32
        %parallel_loop3A_435 = arith.andi %parallel_loop3A_431, %parallel_loop3A_434 : i1
        %parallel_loop3A_436 = arith.constant 1 : i32
        %parallel_loop3A_437 = arith.subi %parallel_loop3A_416, %parallel_loop3A_436 : i32
        %parallel_loop3A_438 = arith.select %parallel_loop3A_435, %parallel_loop3A_437, %parallel_loop3A_416 : i32
        %parallel_loop3A_439 = arith.constant 64 : i32
        %parallel_loop3A_440 = arith.constant 0 : i32
        %parallel_loop3A_441 = arith.cmpi eq, %parallel_loop3A_439, %parallel_loop3A_440 : i32
        %parallel_loop3A_442 = arith.constant 1 : i32
        %parallel_loop3A_443 = arith.select %parallel_loop3A_441, %parallel_loop3A_442, %parallel_loop3A_439 : i32
        %parallel_loop3A_444 = arith.remsi %parallel_loop3A_414, %parallel_loop3A_443 : i32
        %parallel_loop3A_445 = arith.constant 0 : i32
        %parallel_loop3A_446 = arith.cmpi ne, %parallel_loop3A_444, %parallel_loop3A_445 : i32
        %parallel_loop3A_447 = arith.constant 0 : i32
        %parallel_loop3A_448 = arith.cmpi slt, %parallel_loop3A_444, %parallel_loop3A_447 : i32
        %parallel_loop3A_449 = arith.constant 0 : i32
        %parallel_loop3A_450 = arith.cmpi slt, %parallel_loop3A_443, %parallel_loop3A_449 : i32
        %parallel_loop3A_451 = arith.xori %parallel_loop3A_448, %parallel_loop3A_450 : i1
        %parallel_loop3A_452 = arith.andi %parallel_loop3A_451, %parallel_loop3A_446 : i1
        %parallel_loop3A_453 = arith.addi %parallel_loop3A_444, %parallel_loop3A_443 : i32
        %parallel_loop3A_454 = arith.select %parallel_loop3A_452, %parallel_loop3A_453, %parallel_loop3A_444 : i32
        %parallel_loop3A_455 = arith.constant 16 : i32
        %parallel_loop3A_456 = arith.muli %parallel_loop3A_454, %parallel_loop3A_455 : i32
        %parallel_loop3A_457 = arith.index_cast %parallel_loop3A_438 : i32 to index
        %parallel_loop3A_458 = arith.index_cast %parallel_loop3A_456 : i32 to index
        %parallel_loop3A_459 = tpu.vector_load %arg5[%parallel_loop3A_457, %parallel_loop3A_458] {strides = array<i32>} : memref<8x1024xf32, #tpu.memory_space<vmem>>, vector<1x16xf32>,
        %parallel_loop3A_460 = vector.shape_cast %parallel_loop3A_459 : vector<1x16xf32> to vector<16xf32>
        %parallel_loop3A_461 = arith.index_cast %parallel_loop3A_438 : i32 to index
        %parallel_loop3A_462 = arith.index_cast %parallel_loop3A_456 : i32 to index
        %parallel_loop3A_463 = tpu.vector_load %arg10[%parallel_loop3A_461, %parallel_loop3A_462] {strides = array<i32>} : memref<8x1024xf32, #tpu.memory_space<vmem>>, vector<1x16xf32>,
        %parallel_loop3A_464 = vector.shape_cast %parallel_loop3A_463 : vector<1x16xf32> to vector<16xf32>
        %parallel_loop3A_465 = vector.shape_cast %parallel_loop3A_460 : vector<16xf32> to vector<1x16xf32>
        tpu.vector_store %arg10[%parallel_loop3A_461, %parallel_loop3A_462], %parallel_loop3A_465 {add = true, strides = array<i32>} : memref<8x1024xf32, #tpu.memory_space<vmem>>, vector<1x16xf32>,
      } {sc.loop_unroll_factor = 8 : i64, sc.parallel_access}
      %dma_start3A_234 = arith.constant 3 : i32
      %dma_start3A_235 = arith.constant 0 : i32
      %dma_start3A_236 = tpu.memref_slice %arg4[%dma_start3A_234, %add3A_206, %dma_start3A_235] : memref<4x8192x1024xf32, #tpu.memory_space<hbm>> -> memref<1x8x1024xf32, #tpu.memory_space<hbm>>
      %dma_start3A_237 = tpu.memref_squeeze %dma_start3A_236 : memref<1x8x1024xf32, #tpu.memory_space<hbm>> -> memref<8x1024xf32, #tpu.memory_space<hbm>>
      %dma_start3A_238 = arith.constant 0 : i32
      %dma_start3A_239 = tpu.memref_slice %arg4[%dma_start3A_234, %add3A_206, %dma_start3A_238] : memref<4x8192x1024xf32, #tpu.memory_space<hbm>> -> memref<1x8x1024xf32, #tpu.memory_space<hbm>>
      %dma_start3A_240 = tpu.memref_squeeze %dma_start3A_239 : memref<1x8x1024xf32, #tpu.memory_space<hbm>> -> memref<8x1024xf32, #tpu.memory_space<hbm>>
      tpu.enqueue_dma source(%arg10 : memref<8x1024xf32, #tpu.memory_space<vmem>>) target(%dma_start3A_240 : memref<8x1024xf32, #tpu.memory_space<hbm>>) target_semaphore(%arg28 : memref<!tpu.dma_semaphore, #tpu.memory_space<semaphore_mem>>)
      %mul3A_241 = arith.constant 2 : i32
      %mul3A_242 = arith.muli %mul3A_241, %scan3A_69 : i32
      %add3A_243 = arith.constant 1 : i32
      %add3A_244 = arith.addi %mul3A_242, %add3A_243 : i32
      %mul3A_245 = arith.constant 8 : i32
      %mul3A_246 = arith.muli %add3A_244, %mul3A_245 : i32
      %add3A_247 = arith.addi %mul3A_2, %mul3A_246 : i32
      %dma_wait3A_248 = arith.constant 0 : i32
      %dma_wait3A_249 = arith.constant 0 : i32
      %dma_wait3A_250 = tpu.memref_slice %arg4[%dma_wait3A_248, %add3A_247, %dma_wait3A_249] : memref<4x8192x1024xf32, #tpu.memory_space<hbm>> -> memref<1x8x1024xf32, #tpu.memory_space<hbm>>
      %dma_wait3A_251 = tpu.memref_squeeze %dma_wait3A_250 : memref<1x8x1024xf32, #tpu.memory_space<hbm>> -> memref<8x1024xf32, #tpu.memory_space<hbm>>
      %dma_wait3A_252 = arith.constant 0 : i32
      %dma_wait3A_253 = tpu.memref_slice %arg4[%dma_wait3A_248, %add3A_247, %dma_wait3A_252] : memref<4x8192x1024xf32, #tpu.memory_space<hbm>> -> memref<1x8x1024xf32, #tpu.memory_space<hbm>>
      %dma_wait3A_254 = tpu.memref_squeeze %dma_wait3A_253 : memref<1x8x1024xf32, #tpu.memory_space<hbm>> -> memref<8x1024xf32, #tpu.memory_space<hbm>>
      tpu.wait_dma2 semaphore(%arg25 : memref<!tpu.dma_semaphore, #tpu.memory_space<semaphore_mem>>) src(%arg7 : memref<8x1024xf32, #tpu.memory_space<vmem>>) dst(%dma_wait3A_254 : memref<8x1024xf32, #tpu.memory_space<hbm>>)
      %add3A_255 = arith.constant 1 : i32
      %add3A_256 = arith.addi %add3A_244, %add3A_255 : i32
      %mul3A_257 = arith.constant 8 : i32
      %mul3A_258 = arith.muli %add3A_256, %mul3A_257 : i32
      %add3A_259 = arith.addi %mul3A_2, %mul3A_258 : i32
      %lt3A = arith.constant 15 : i32
      %lt3A_260 = arith.cmpi slt, %scan3A_69, %lt3A : i32
      %convert_element_type3A_261 = arith.extui %lt3A_260 : i1 to i32
      %cond3A_262 = arith.constant 0 : i32
      %cond3A_263 = arith.cmpi ne, %convert_element_type3A_261, %cond3A_262 : i32
      scf.if %cond3A_263 {
        %dma_start3A_414 = arith.constant 0 : i32
        %dma_start3A_415 = arith.constant 0 : i32
        %dma_start3A_416 = tpu.memref_slice %arg2[%dma_start3A_414, %add3A_259, %dma_start3A_415] : memref<4x8192x1024xf32, #tpu.memory_space<hbm>> -> memref<1x8x1024xf32, #tpu.memory_space<hbm>>
        %dma_start3A_417 = tpu.memref_squeeze %dma_start3A_416 : memref<1x8x1024xf32, #tpu.memory_space<hbm>> -> memref<8x1024xf32, #tpu.memory_space<hbm>>
        %dma_start3A_418 = arith.constant 0 : i32
        %dma_start3A_419 = tpu.memref_slice %arg2[%dma_start3A_414, %add3A_259, %dma_start3A_418] : memref<4x8192x1024xf32, #tpu.memory_space<hbm>> -> memref<1x8x1024xf32, #tpu.memory_space<hbm>>
        %dma_start3A_420 = tpu.memref_squeeze %dma_start3A_419 : memref<1x8x1024xf32, #tpu.memory_space<hbm>> -> memref<8x1024xf32, #tpu.memory_space<hbm>>
        tpu.enqueue_dma source(%dma_start3A_420 : memref<8x1024xf32, #tpu.memory_space<hbm>>) target(%arg7 : memref<8x1024xf32, #tpu.memory_space<vmem>>) target_semaphore(%arg17 : memref<!tpu.dma_semaphore, #tpu.memory_space<semaphore_mem>>)
      } else {
      }
      %dma_wait3A_264 = arith.constant 0 : i32
      %dma_wait3A_265 = arith.constant 0 : i32
      %dma_wait3A_266 = tpu.memref_slice %arg2[%dma_wait3A_264, %add3A_247, %dma_wait3A_265] : memref<4x8192x1024xf32, #tpu.memory_space<hbm>> -> memref<1x8x1024xf32, #tpu.memory_space<hbm>>
      %dma_wait3A_267 = tpu.memref_squeeze %dma_wait3A_266 : memref<1x8x1024xf32, #tpu.memory_space<hbm>> -> memref<8x1024xf32, #tpu.memory_space<hbm>>
      %dma_wait3A_268 = arith.constant 0 : i32
      %dma_wait3A_269 = tpu.memref_slice %arg2[%dma_wait3A_264, %add3A_247, %dma_wait3A_268] : memref<4x8192x1024xf32, #tpu.memory_space<hbm>> -> memref<1x8x1024xf32, #tpu.memory_space<hbm>>
      %dma_wait3A_270 = tpu.memref_squeeze %dma_wait3A_269 : memref<1x8x1024xf32, #tpu.memory_space<hbm>> -> memref<8x1024xf32, #tpu.memory_space<hbm>>
      tpu.wait_dma2 semaphore(%arg21 : memref<!tpu.dma_semaphore, #tpu.memory_space<semaphore_mem>>) src(%dma_wait3A_270 : memref<8x1024xf32, #tpu.memory_space<hbm>>) dst(%arg11 : memref<8x1024xf32, #tpu.memory_space<vmem>>)
      %dma_wait3A_271 = arith.constant 0 : i32
      %dma_wait3A_272 = tpu.memref_slice %arg3[%add3A_247, %dma_wait3A_271] : memref<8192x1024xf32, #tpu.memory_space<hbm>> -> memref<8x1024xf32, #tpu.memory_space<hbm>>
      %dma_wait3A_273 = arith.constant 0 : i32
      %dma_wait3A_274 = tpu.memref_slice %arg3[%add3A_247, %dma_wait3A_273] : memref<8192x1024xf32, #tpu.memory_space<hbm>> -> memref<8x1024xf32, #tpu.memory_space<hbm>>
      tpu.wait_dma2 semaphore(%arg16 : memref<!tpu.dma_semaphore, #tpu.memory_space<semaphore_mem>>) src(%dma_wait3A_274 : memref<8x1024xf32, #tpu.memory_space<hbm>>) dst(%arg6 : memref<8x1024xf32, #tpu.memory_space<vmem>>)
      %lt3A_275 = arith.constant 15 : i32
      %lt3A_276 = arith.cmpi slt, %scan3A_69, %lt3A_275 : i32
      %convert_element_type3A_277 = arith.extui %lt3A_276 : i1 to i32
      %cond3A_278 = arith.constant 0 : i32
      %cond3A_279 = arith.cmpi ne, %convert_element_type3A_277, %cond3A_278 : i32
      scf.if %cond3A_279 {
        %add3A_414 = arith.constant 8 : i32
        %add3A_415 = arith.addi %add3A_247, %add3A_414 : i32
        %dma_start3A_416 = arith.constant 0 : i32
        %dma_start3A_417 = tpu.memref_slice %arg3[%add3A_415, %dma_start3A_416] : memref<8192x1024xf32, #tpu.memory_space<hbm>> -> memref<8x1024xf32, #tpu.memory_space<hbm>>
        %dma_start3A_418 = arith.constant 0 : i32
        %dma_start3A_419 = tpu.memref_slice %arg3[%add3A_415, %dma_start3A_418] : memref<8192x1024xf32, #tpu.memory_space<hbm>> -> memref<8x1024xf32, #tpu.memory_space<hbm>>
        tpu.enqueue_dma source(%dma_start3A_419 : memref<8x1024xf32, #tpu.memory_space<hbm>>) target(%arg5 : memref<8x1024xf32, #tpu.memory_space<vmem>>) target_semaphore(%arg15 : memref<!tpu.dma_semaphore, #tpu.memory_space<semaphore_mem>>)
      } else {
      }
      %parallel_loop3A_280 = arith.constant 0 : i32
      %parallel_loop3A_281 = arith.constant 512 : i32
      %parallel_loop3A_282 = arith.constant 1 : i32
      scf.for %parallel_loop3A_414 = %parallel_loop3A_280 to %parallel_loop3A_281 step %parallel_loop3A_282  : i32 {
        %parallel_loop3A_415 = arith.constant 64 : i32
        %parallel_loop3A_416 = arith.divsi %parallel_loop3A_414, %parallel_loop3A_415 : i32
        %parallel_loop3A_417 = arith.constant 0 : i32
        %parallel_loop3A_418 = arith.cmpi sgt, %parallel_loop3A_414, %parallel_loop3A_417 : i32
        %parallel_loop3A_419 = arith.extui %parallel_loop3A_418 : i1 to i32
        %parallel_loop3A_420 = arith.constant 0 : i32
        %parallel_loop3A_421 = arith.cmpi slt, %parallel_loop3A_414, %parallel_loop3A_420 : i32
        %parallel_loop3A_422 = arith.extui %parallel_loop3A_421 : i1 to i32
        %parallel_loop3A_423 = arith.subi %parallel_loop3A_419, %parallel_loop3A_422 : i32
        %parallel_loop3A_424 = arith.constant 0 : i32
        %parallel_loop3A_425 = arith.cmpi sgt, %parallel_loop3A_415, %parallel_loop3A_424 : i32
        %parallel_loop3A_426 = arith.extui %parallel_loop3A_425 : i1 to i32
        %parallel_loop3A_427 = arith.constant 0 : i32
        %parallel_loop3A_428 = arith.cmpi slt, %parallel_loop3A_415, %parallel_loop3A_427 : i32
        %parallel_loop3A_429 = arith.extui %parallel_loop3A_428 : i1 to i32
        %parallel_loop3A_430 = arith.subi %parallel_loop3A_426, %parallel_loop3A_429 : i32
        %parallel_loop3A_431 = arith.cmpi ne, %parallel_loop3A_423, %parallel_loop3A_430 : i32
        %parallel_loop3A_432 = arith.remsi %parallel_loop3A_414, %parallel_loop3A_415 : i32
        %parallel_loop3A_433 = arith.constant 0 : i32
        %parallel_loop3A_434 = arith.cmpi ne, %parallel_loop3A_432, %parallel_loop3A_433 : i32
        %parallel_loop3A_435 = arith.andi %parallel_loop3A_431, %parallel_loop3A_434 : i1
        %parallel_loop3A_436 = arith.constant 1 : i32
        %parallel_loop3A_437 = arith.subi %parallel_loop3A_416, %parallel_loop3A_436 : i32
        %parallel_loop3A_438 = arith.select %parallel_loop3A_435, %parallel_loop3A_437, %parallel_loop3A_416 : i32
        %parallel_loop3A_439 = arith.constant 64 : i32
        %parallel_loop3A_440 = arith.constant 0 : i32
        %parallel_loop3A_441 = arith.cmpi eq, %parallel_loop3A_439, %parallel_loop3A_440 : i32
        %parallel_loop3A_442 = arith.constant 1 : i32
        %parallel_loop3A_443 = arith.select %parallel_loop3A_441, %parallel_loop3A_442, %parallel_loop3A_439 : i32
        %parallel_loop3A_444 = arith.remsi %parallel_loop3A_414, %parallel_loop3A_443 : i32
        %parallel_loop3A_445 = arith.constant 0 : i32
        %parallel_loop3A_446 = arith.cmpi ne, %parallel_loop3A_444, %parallel_loop3A_445 : i32
        %parallel_loop3A_447 = arith.constant 0 : i32
        %parallel_loop3A_448 = arith.cmpi slt, %parallel_loop3A_444, %parallel_loop3A_447 : i32
        %parallel_loop3A_449 = arith.constant 0 : i32
        %parallel_loop3A_450 = arith.cmpi slt, %parallel_loop3A_443, %parallel_loop3A_449 : i32
        %parallel_loop3A_451 = arith.xori %parallel_loop3A_448, %parallel_loop3A_450 : i1
        %parallel_loop3A_452 = arith.andi %parallel_loop3A_451, %parallel_loop3A_446 : i1
        %parallel_loop3A_453 = arith.addi %parallel_loop3A_444, %parallel_loop3A_443 : i32
        %parallel_loop3A_454 = arith.select %parallel_loop3A_452, %parallel_loop3A_453, %parallel_loop3A_444 : i32
        %parallel_loop3A_455 = arith.constant 16 : i32
        %parallel_loop3A_456 = arith.muli %parallel_loop3A_454, %parallel_loop3A_455 : i32
        %parallel_loop3A_457 = arith.index_cast %parallel_loop3A_438 : i32 to index
        %parallel_loop3A_458 = arith.index_cast %parallel_loop3A_456 : i32 to index
        %parallel_loop3A_459 = tpu.vector_load %arg6[%parallel_loop3A_457, %parallel_loop3A_458] {strides = array<i32>} : memref<8x1024xf32, #tpu.memory_space<vmem>>, vector<1x16xf32>,
        %parallel_loop3A_460 = vector.shape_cast %parallel_loop3A_459 : vector<1x16xf32> to vector<16xf32>
        %parallel_loop3A_461 = arith.index_cast %parallel_loop3A_438 : i32 to index
        %parallel_loop3A_462 = arith.index_cast %parallel_loop3A_456 : i32 to index
        %parallel_loop3A_463 = tpu.vector_load %arg11[%parallel_loop3A_461, %parallel_loop3A_462] {strides = array<i32>} : memref<8x1024xf32, #tpu.memory_space<vmem>>, vector<1x16xf32>,
        %parallel_loop3A_464 = vector.shape_cast %parallel_loop3A_463 : vector<1x16xf32> to vector<16xf32>
        %parallel_loop3A_465 = vector.shape_cast %parallel_loop3A_460 : vector<16xf32> to vector<1x16xf32>
        tpu.vector_store %arg11[%parallel_loop3A_461, %parallel_loop3A_462], %parallel_loop3A_465 {add = true, strides = array<i32>} : memref<8x1024xf32, #tpu.memory_space<vmem>>, vector<1x16xf32>,
      } {sc.loop_unroll_factor = 8 : i64, sc.parallel_access}
      %dma_start3A_283 = arith.constant 0 : i32
      %dma_start3A_284 = arith.constant 0 : i32
      %dma_start3A_285 = tpu.memref_slice %arg4[%dma_start3A_283, %add3A_247, %dma_start3A_284] : memref<4x8192x1024xf32, #tpu.memory_space<hbm>> -> memref<1x8x1024xf32, #tpu.memory_space<hbm>>
      %dma_start3A_286 = tpu.memref_squeeze %dma_start3A_285 : memref<1x8x1024xf32, #tpu.memory_space<hbm>> -> memref<8x1024xf32, #tpu.memory_space<hbm>>
      %dma_start3A_287 = arith.constant 0 : i32
      %dma_start3A_288 = tpu.memref_slice %arg4[%dma_start3A_283, %add3A_247, %dma_start3A_287] : memref<4x8192x1024xf32, #tpu.memory_space<hbm>> -> memref<1x8x1024xf32, #tpu.memory_space<hbm>>
      %dma_start3A_289 = tpu.memref_squeeze %dma_start3A_288 : memref<1x8x1024xf32, #tpu.memory_space<hbm>> -> memref<8x1024xf32, #tpu.memory_space<hbm>>
      tpu.enqueue_dma source(%arg11 : memref<8x1024xf32, #tpu.memory_space<vmem>>) target(%dma_start3A_289 : memref<8x1024xf32, #tpu.memory_space<hbm>>) target_semaphore(%arg29 : memref<!tpu.dma_semaphore, #tpu.memory_space<semaphore_mem>>)
      %mul3A_290 = arith.constant 2 : i32
      %mul3A_291 = arith.muli %mul3A_290, %scan3A_69 : i32
      %add3A_292 = arith.constant 1 : i32
      %add3A_293 = arith.addi %mul3A_291, %add3A_292 : i32
      %mul3A_294 = arith.constant 8 : i32
      %mul3A_295 = arith.muli %add3A_293, %mul3A_294 : i32
      %add3A_296 = arith.addi %mul3A_2, %mul3A_295 : i32
      %dma_wait3A_297 = arith.constant 0 : i32
      %dma_wait3A_298 = arith.constant 0 : i32
      %dma_wait3A_299 = tpu.memref_slice %arg4[%dma_wait3A_297, %add3A_296, %dma_wait3A_298] : memref<4x8192x1024xf32, #tpu.memory_space<hbm>> -> memref<1x8x1024xf32, #tpu.memory_space<hbm>>
      %dma_wait3A_300 = tpu.memref_squeeze %dma_wait3A_299 : memref<1x8x1024xf32, #tpu.memory_space<hbm>> -> memref<8x1024xf32, #tpu.memory_space<hbm>>
      %dma_wait3A_301 = arith.constant 0 : i32
      %dma_wait3A_302 = tpu.memref_slice %arg4[%dma_wait3A_297, %add3A_296, %dma_wait3A_301] : memref<4x8192x1024xf32, #tpu.memory_space<hbm>> -> memref<1x8x1024xf32, #tpu.memory_space<hbm>>
      %dma_wait3A_303 = tpu.memref_squeeze %dma_wait3A_302 : memref<1x8x1024xf32, #tpu.memory_space<hbm>> -> memref<8x1024xf32, #tpu.memory_space<hbm>>
      tpu.wait_dma2 semaphore(%arg26 : memref<!tpu.dma_semaphore, #tpu.memory_space<semaphore_mem>>) src(%arg8 : memref<8x1024xf32, #tpu.memory_space<vmem>>) dst(%dma_wait3A_303 : memref<8x1024xf32, #tpu.memory_space<hbm>>)
      %add3A_304 = arith.constant 1 : i32
      %add3A_305 = arith.addi %add3A_293, %add3A_304 : i32
      %mul3A_306 = arith.constant 8 : i32
      %mul3A_307 = arith.muli %add3A_305, %mul3A_306 : i32
      %add3A_308 = arith.addi %mul3A_2, %mul3A_307 : i32
      %lt3A_309 = arith.constant 15 : i32
      %lt3A_310 = arith.cmpi slt, %scan3A_69, %lt3A_309 : i32
      %convert_element_type3A_311 = arith.extui %lt3A_310 : i1 to i32
      %cond3A_312 = arith.constant 0 : i32
      %cond3A_313 = arith.cmpi ne, %convert_element_type3A_311, %cond3A_312 : i32
      scf.if %cond3A_313 {
        %dma_start3A_414 = arith.constant 1 : i32
        %dma_start3A_415 = arith.constant 0 : i32
        %dma_start3A_416 = tpu.memref_slice %arg2[%dma_start3A_414, %add3A_308, %dma_start3A_415] : memref<4x8192x1024xf32, #tpu.memory_space<hbm>> -> memref<1x8x1024xf32, #tpu.memory_space<hbm>>
        %dma_start3A_417 = tpu.memref_squeeze %dma_start3A_416 : memref<1x8x1024xf32, #tpu.memory_space<hbm>> -> memref<8x1024xf32, #tpu.memory_space<hbm>>
        %dma_start3A_418 = arith.constant 0 : i32
        %dma_start3A_419 = tpu.memref_slice %arg2[%dma_start3A_414, %add3A_308, %dma_start3A_418] : memref<4x8192x1024xf32, #tpu.memory_space<hbm>> -> memref<1x8x1024xf32, #tpu.memory_space<hbm>>
        %dma_start3A_420 = tpu.memref_squeeze %dma_start3A_419 : memref<1x8x1024xf32, #tpu.memory_space<hbm>> -> memref<8x1024xf32, #tpu.memory_space<hbm>>
        tpu.enqueue_dma source(%dma_start3A_420 : memref<8x1024xf32, #tpu.memory_space<hbm>>) target(%arg8 : memref<8x1024xf32, #tpu.memory_space<vmem>>) target_semaphore(%arg18 : memref<!tpu.dma_semaphore, #tpu.memory_space<semaphore_mem>>)
      } else {
      }
      %dma_wait3A_314 = arith.constant 1 : i32
      %dma_wait3A_315 = arith.constant 0 : i32
      %dma_wait3A_316 = tpu.memref_slice %arg2[%dma_wait3A_314, %add3A_296, %dma_wait3A_315] : memref<4x8192x1024xf32, #tpu.memory_space<hbm>> -> memref<1x8x1024xf32, #tpu.memory_space<hbm>>
      %dma_wait3A_317 = tpu.memref_squeeze %dma_wait3A_316 : memref<1x8x1024xf32, #tpu.memory_space<hbm>> -> memref<8x1024xf32, #tpu.memory_space<hbm>>
      %dma_wait3A_318 = arith.constant 0 : i32
      %dma_wait3A_319 = tpu.memref_slice %arg2[%dma_wait3A_314, %add3A_296, %dma_wait3A_318] : memref<4x8192x1024xf32, #tpu.memory_space<hbm>> -> memref<1x8x1024xf32, #tpu.memory_space<hbm>>
      %dma_wait3A_320 = tpu.memref_squeeze %dma_wait3A_319 : memref<1x8x1024xf32, #tpu.memory_space<hbm>> -> memref<8x1024xf32, #tpu.memory_space<hbm>>
      tpu.wait_dma2 semaphore(%arg22 : memref<!tpu.dma_semaphore, #tpu.memory_space<semaphore_mem>>) src(%dma_wait3A_320 : memref<8x1024xf32, #tpu.memory_space<hbm>>) dst(%arg12 : memref<8x1024xf32, #tpu.memory_space<vmem>>)
      %parallel_loop3A_321 = arith.constant 0 : i32
      %parallel_loop3A_322 = arith.constant 512 : i32
      %parallel_loop3A_323 = arith.constant 1 : i32
      scf.for %parallel_loop3A_414 = %parallel_loop3A_321 to %parallel_loop3A_322 step %parallel_loop3A_323  : i32 {
        %parallel_loop3A_415 = arith.constant 64 : i32
        %parallel_loop3A_416 = arith.divsi %parallel_loop3A_414, %parallel_loop3A_415 : i32
        %parallel_loop3A_417 = arith.constant 0 : i32
        %parallel_loop3A_418 = arith.cmpi sgt, %parallel_loop3A_414, %parallel_loop3A_417 : i32
        %parallel_loop3A_419 = arith.extui %parallel_loop3A_418 : i1 to i32
        %parallel_loop3A_420 = arith.constant 0 : i32
        %parallel_loop3A_421 = arith.cmpi slt, %parallel_loop3A_414, %parallel_loop3A_420 : i32
        %parallel_loop3A_422 = arith.extui %parallel_loop3A_421 : i1 to i32
        %parallel_loop3A_423 = arith.subi %parallel_loop3A_419, %parallel_loop3A_422 : i32
        %parallel_loop3A_424 = arith.constant 0 : i32
        %parallel_loop3A_425 = arith.cmpi sgt, %parallel_loop3A_415, %parallel_loop3A_424 : i32
        %parallel_loop3A_426 = arith.extui %parallel_loop3A_425 : i1 to i32
        %parallel_loop3A_427 = arith.constant 0 : i32
        %parallel_loop3A_428 = arith.cmpi slt, %parallel_loop3A_415, %parallel_loop3A_427 : i32
        %parallel_loop3A_429 = arith.extui %parallel_loop3A_428 : i1 to i32
        %parallel_loop3A_430 = arith.subi %parallel_loop3A_426, %parallel_loop3A_429 : i32
        %parallel_loop3A_431 = arith.cmpi ne, %parallel_loop3A_423, %parallel_loop3A_430 : i32
        %parallel_loop3A_432 = arith.remsi %parallel_loop3A_414, %parallel_loop3A_415 : i32
        %parallel_loop3A_433 = arith.constant 0 : i32
        %parallel_loop3A_434 = arith.cmpi ne, %parallel_loop3A_432, %parallel_loop3A_433 : i32
        %parallel_loop3A_435 = arith.andi %parallel_loop3A_431, %parallel_loop3A_434 : i1
        %parallel_loop3A_436 = arith.constant 1 : i32
        %parallel_loop3A_437 = arith.subi %parallel_loop3A_416, %parallel_loop3A_436 : i32
        %parallel_loop3A_438 = arith.select %parallel_loop3A_435, %parallel_loop3A_437, %parallel_loop3A_416 : i32
        %parallel_loop3A_439 = arith.constant 64 : i32
        %parallel_loop3A_440 = arith.constant 0 : i32
        %parallel_loop3A_441 = arith.cmpi eq, %parallel_loop3A_439, %parallel_loop3A_440 : i32
        %parallel_loop3A_442 = arith.constant 1 : i32
        %parallel_loop3A_443 = arith.select %parallel_loop3A_441, %parallel_loop3A_442, %parallel_loop3A_439 : i32
        %parallel_loop3A_444 = arith.remsi %parallel_loop3A_414, %parallel_loop3A_443 : i32
        %parallel_loop3A_445 = arith.constant 0 : i32
        %parallel_loop3A_446 = arith.cmpi ne, %parallel_loop3A_444, %parallel_loop3A_445 : i32
        %parallel_loop3A_447 = arith.constant 0 : i32
        %parallel_loop3A_448 = arith.cmpi slt, %parallel_loop3A_444, %parallel_loop3A_447 : i32
        %parallel_loop3A_449 = arith.constant 0 : i32
        %parallel_loop3A_450 = arith.cmpi slt, %parallel_loop3A_443, %parallel_loop3A_449 : i32
        %parallel_loop3A_451 = arith.xori %parallel_loop3A_448, %parallel_loop3A_450 : i1
        %parallel_loop3A_452 = arith.andi %parallel_loop3A_451, %parallel_loop3A_446 : i1
        %parallel_loop3A_453 = arith.addi %parallel_loop3A_444, %parallel_loop3A_443 : i32
        %parallel_loop3A_454 = arith.select %parallel_loop3A_452, %parallel_loop3A_453, %parallel_loop3A_444 : i32
        %parallel_loop3A_455 = arith.constant 16 : i32
        %parallel_loop3A_456 = arith.muli %parallel_loop3A_454, %parallel_loop3A_455 : i32
        %parallel_loop3A_457 = arith.index_cast %parallel_loop3A_438 : i32 to index
        %parallel_loop3A_458 = arith.index_cast %parallel_loop3A_456 : i32 to index
        %parallel_loop3A_459 = tpu.vector_load %arg6[%parallel_loop3A_457, %parallel_loop3A_458] {strides = array<i32>} : memref<8x1024xf32, #tpu.memory_space<vmem>>, vector<1x16xf32>,
        %parallel_loop3A_460 = vector.shape_cast %parallel_loop3A_459 : vector<1x16xf32> to vector<16xf32>
        %parallel_loop3A_461 = arith.index_cast %parallel_loop3A_438 : i32 to index
        %parallel_loop3A_462 = arith.index_cast %parallel_loop3A_456 : i32 to index
        %parallel_loop3A_463 = tpu.vector_load %arg12[%parallel_loop3A_461, %parallel_loop3A_462] {strides = array<i32>} : memref<8x1024xf32, #tpu.memory_space<vmem>>, vector<1x16xf32>,
        %parallel_loop3A_464 = vector.shape_cast %parallel_loop3A_463 : vector<1x16xf32> to vector<16xf32>
        %parallel_loop3A_465 = vector.shape_cast %parallel_loop3A_460 : vector<16xf32> to vector<1x16xf32>
        tpu.vector_store %arg12[%parallel_loop3A_461, %parallel_loop3A_462], %parallel_loop3A_465 {add = true, strides = array<i32>} : memref<8x1024xf32, #tpu.memory_space<vmem>>, vector<1x16xf32>,
      } {sc.loop_unroll_factor = 8 : i64, sc.parallel_access}
      %dma_start3A_324 = arith.constant 1 : i32
      %dma_start3A_325 = arith.constant 0 : i32
      %dma_start3A_326 = tpu.memref_slice %arg4[%dma_start3A_324, %add3A_296, %dma_start3A_325] : memref<4x8192x1024xf32, #tpu.memory_space<hbm>> -> memref<1x8x1024xf32, #tpu.memory_space<hbm>>
      %dma_start3A_327 = tpu.memref_squeeze %dma_start3A_326 : memref<1x8x1024xf32, #tpu.memory_space<hbm>> -> memref<8x1024xf32, #tpu.memory_space<hbm>>
      %dma_start3A_328 = arith.constant 0 : i32
      %dma_start3A_329 = tpu.memref_slice %arg4[%dma_start3A_324, %add3A_296, %dma_start3A_328] : memref<4x8192x1024xf32, #tpu.memory_space<hbm>> -> memref<1x8x1024xf32, #tpu.memory_space<hbm>>
      %dma_start3A_330 = tpu.memref_squeeze %dma_start3A_329 : memref<1x8x1024xf32, #tpu.memory_space<hbm>> -> memref<8x1024xf32, #tpu.memory_space<hbm>>
      tpu.enqueue_dma source(%arg12 : memref<8x1024xf32, #tpu.memory_space<vmem>>) target(%dma_start3A_330 : memref<8x1024xf32, #tpu.memory_space<hbm>>) target_semaphore(%arg30 : memref<!tpu.dma_semaphore, #tpu.memory_space<semaphore_mem>>)
      %mul3A_331 = arith.constant 2 : i32
      %mul3A_332 = arith.muli %mul3A_331, %scan3A_69 : i32
      %add3A_333 = arith.constant 1 : i32
      %add3A_334 = arith.addi %mul3A_332, %add3A_333 : i32
      %mul3A_335 = arith.constant 8 : i32
      %mul3A_336 = arith.muli %add3A_334, %mul3A_335 : i32
      %add3A_337 = arith.addi %mul3A_2, %mul3A_336 : i32
      %dma_wait3A_338 = arith.constant 0 : i32
      %dma_wait3A_339 = arith.constant 0 : i32
      %dma_wait3A_340 = tpu.memref_slice %arg4[%dma_wait3A_338, %add3A_337, %dma_wait3A_339] : memref<4x8192x1024xf32, #tpu.memory_space<hbm>> -> memref<1x8x1024xf32, #tpu.memory_space<hbm>>
      %dma_wait3A_341 = tpu.memref_squeeze %dma_wait3A_340 : memref<1x8x1024xf32, #tpu.memory_space<hbm>> -> memref<8x1024xf32, #tpu.memory_space<hbm>>
      %dma_wait3A_342 = arith.constant 0 : i32
      %dma_wait3A_343 = tpu.memref_slice %arg4[%dma_wait3A_338, %add3A_337, %dma_wait3A_342] : memref<4x8192x1024xf32, #tpu.memory_space<hbm>> -> memref<1x8x1024xf32, #tpu.memory_space<hbm>>
      %dma_wait3A_344 = tpu.memref_squeeze %dma_wait3A_343 : memref<1x8x1024xf32, #tpu.memory_space<hbm>> -> memref<8x1024xf32, #tpu.memory_space<hbm>>
      tpu.wait_dma2 semaphore(%arg27 : memref<!tpu.dma_semaphore, #tpu.memory_space<semaphore_mem>>) src(%arg9 : memref<8x1024xf32, #tpu.memory_space<vmem>>) dst(%dma_wait3A_344 : memref<8x1024xf32, #tpu.memory_space<hbm>>)
      %add3A_345 = arith.constant 1 : i32
      %add3A_346 = arith.addi %add3A_334, %add3A_345 : i32
      %mul3A_347 = arith.constant 8 : i32
      %mul3A_348 = arith.muli %add3A_346, %mul3A_347 : i32
      %add3A_349 = arith.addi %mul3A_2, %mul3A_348 : i32
      %lt3A_350 = arith.constant 15 : i32
      %lt3A_351 = arith.cmpi slt, %scan3A_69, %lt3A_350 : i32
      %convert_element_type3A_352 = arith.extui %lt3A_351 : i1 to i32
      %cond3A_353 = arith.constant 0 : i32
      %cond3A_354 = arith.cmpi ne, %convert_element_type3A_352, %cond3A_353 : i32
      scf.if %cond3A_354 {
        %dma_start3A_414 = arith.constant 2 : i32
        %dma_start3A_415 = arith.constant 0 : i32
        %dma_start3A_416 = tpu.memref_slice %arg2[%dma_start3A_414, %add3A_349, %dma_start3A_415] : memref<4x8192x1024xf32, #tpu.memory_space<hbm>> -> memref<1x8x1024xf32, #tpu.memory_space<hbm>>
        %dma_start3A_417 = tpu.memref_squeeze %dma_start3A_416 : memref<1x8x1024xf32, #tpu.memory_space<hbm>> -> memref<8x1024xf32, #tpu.memory_space<hbm>>
        %dma_start3A_418 = arith.constant 0 : i32
        %dma_start3A_419 = tpu.memref_slice %arg2[%dma_start3A_414, %add3A_349, %dma_start3A_418] : memref<4x8192x1024xf32, #tpu.memory_space<hbm>> -> memref<1x8x1024xf32, #tpu.memory_space<hbm>>
        %dma_start3A_420 = tpu.memref_squeeze %dma_start3A_419 : memref<1x8x1024xf32, #tpu.memory_space<hbm>> -> memref<8x1024xf32, #tpu.memory_space<hbm>>
        tpu.enqueue_dma source(%dma_start3A_420 : memref<8x1024xf32, #tpu.memory_space<hbm>>) target(%arg9 : memref<8x1024xf32, #tpu.memory_space<vmem>>) target_semaphore(%arg19 : memref<!tpu.dma_semaphore, #tpu.memory_space<semaphore_mem>>)
      } else {
      }
      %dma_wait3A_355 = arith.constant 2 : i32
      %dma_wait3A_356 = arith.constant 0 : i32
      %dma_wait3A_357 = tpu.memref_slice %arg2[%dma_wait3A_355, %add3A_337, %dma_wait3A_356] : memref<4x8192x1024xf32, #tpu.memory_space<hbm>> -> memref<1x8x1024xf32, #tpu.memory_space<hbm>>
      %dma_wait3A_358 = tpu.memref_squeeze %dma_wait3A_357 : memref<1x8x1024xf32, #tpu.memory_space<hbm>> -> memref<8x1024xf32, #tpu.memory_space<hbm>>
      %dma_wait3A_359 = arith.constant 0 : i32
      %dma_wait3A_360 = tpu.memref_slice %arg2[%dma_wait3A_355, %add3A_337, %dma_wait3A_359] : memref<4x8192x1024xf32, #tpu.memory_space<hbm>> -> memref<1x8x1024xf32, #tpu.memory_space<hbm>>
      %dma_wait3A_361 = tpu.memref_squeeze %dma_wait3A_360 : memref<1x8x1024xf32, #tpu.memory_space<hbm>> -> memref<8x1024xf32, #tpu.memory_space<hbm>>
      tpu.wait_dma2 semaphore(%arg23 : memref<!tpu.dma_semaphore, #tpu.memory_space<semaphore_mem>>) src(%dma_wait3A_361 : memref<8x1024xf32, #tpu.memory_space<hbm>>) dst(%arg13 : memref<8x1024xf32, #tpu.memory_space<vmem>>)
      %parallel_loop3A_362 = arith.constant 0 : i32
      %parallel_loop3A_363 = arith.constant 512 : i32
      %parallel_loop3A_364 = arith.constant 1 : i32
      scf.for %parallel_loop3A_414 = %parallel_loop3A_362 to %parallel_loop3A_363 step %parallel_loop3A_364  : i32 {
        %parallel_loop3A_415 = arith.constant 64 : i32
        %parallel_loop3A_416 = arith.divsi %parallel_loop3A_414, %parallel_loop3A_415 : i32
        %parallel_loop3A_417 = arith.constant 0 : i32
        %parallel_loop3A_418 = arith.cmpi sgt, %parallel_loop3A_414, %parallel_loop3A_417 : i32
        %parallel_loop3A_419 = arith.extui %parallel_loop3A_418 : i1 to i32
        %parallel_loop3A_420 = arith.constant 0 : i32
        %parallel_loop3A_421 = arith.cmpi slt, %parallel_loop3A_414, %parallel_loop3A_420 : i32
        %parallel_loop3A_422 = arith.extui %parallel_loop3A_421 : i1 to i32
        %parallel_loop3A_423 = arith.subi %parallel_loop3A_419, %parallel_loop3A_422 : i32
        %parallel_loop3A_424 = arith.constant 0 : i32
        %parallel_loop3A_425 = arith.cmpi sgt, %parallel_loop3A_415, %parallel_loop3A_424 : i32
        %parallel_loop3A_426 = arith.extui %parallel_loop3A_425 : i1 to i32
        %parallel_loop3A_427 = arith.constant 0 : i32
        %parallel_loop3A_428 = arith.cmpi slt, %parallel_loop3A_415, %parallel_loop3A_427 : i32
        %parallel_loop3A_429 = arith.extui %parallel_loop3A_428 : i1 to i32
        %parallel_loop3A_430 = arith.subi %parallel_loop3A_426, %parallel_loop3A_429 : i32
        %parallel_loop3A_431 = arith.cmpi ne, %parallel_loop3A_423, %parallel_loop3A_430 : i32
        %parallel_loop3A_432 = arith.remsi %parallel_loop3A_414, %parallel_loop3A_415 : i32
        %parallel_loop3A_433 = arith.constant 0 : i32
        %parallel_loop3A_434 = arith.cmpi ne, %parallel_loop3A_432, %parallel_loop3A_433 : i32
        %parallel_loop3A_435 = arith.andi %parallel_loop3A_431, %parallel_loop3A_434 : i1
        %parallel_loop3A_436 = arith.constant 1 : i32
        %parallel_loop3A_437 = arith.subi %parallel_loop3A_416, %parallel_loop3A_436 : i32
        %parallel_loop3A_438 = arith.select %parallel_loop3A_435, %parallel_loop3A_437, %parallel_loop3A_416 : i32
        %parallel_loop3A_439 = arith.constant 64 : i32
        %parallel_loop3A_440 = arith.constant 0 : i32
        %parallel_loop3A_441 = arith.cmpi eq, %parallel_loop3A_439, %parallel_loop3A_440 : i32
        %parallel_loop3A_442 = arith.constant 1 : i32
        %parallel_loop3A_443 = arith.select %parallel_loop3A_441, %parallel_loop3A_442, %parallel_loop3A_439 : i32
        %parallel_loop3A_444 = arith.remsi %parallel_loop3A_414, %parallel_loop3A_443 : i32
        %parallel_loop3A_445 = arith.constant 0 : i32
        %parallel_loop3A_446 = arith.cmpi ne, %parallel_loop3A_444, %parallel_loop3A_445 : i32
        %parallel_loop3A_447 = arith.constant 0 : i32
        %parallel_loop3A_448 = arith.cmpi slt, %parallel_loop3A_444, %parallel_loop3A_447 : i32
        %parallel_loop3A_449 = arith.constant 0 : i32
        %parallel_loop3A_450 = arith.cmpi slt, %parallel_loop3A_443, %parallel_loop3A_449 : i32
        %parallel_loop3A_451 = arith.xori %parallel_loop3A_448, %parallel_loop3A_450 : i1
        %parallel_loop3A_452 = arith.andi %parallel_loop3A_451, %parallel_loop3A_446 : i1
        %parallel_loop3A_453 = arith.addi %parallel_loop3A_444, %parallel_loop3A_443 : i32
        %parallel_loop3A_454 = arith.select %parallel_loop3A_452, %parallel_loop3A_453, %parallel_loop3A_444 : i32
        %parallel_loop3A_455 = arith.constant 16 : i32
        %parallel_loop3A_456 = arith.muli %parallel_loop3A_454, %parallel_loop3A_455 : i32
        %parallel_loop3A_457 = arith.index_cast %parallel_loop3A_438 : i32 to index
        %parallel_loop3A_458 = arith.index_cast %parallel_loop3A_456 : i32 to index
        %parallel_loop3A_459 = tpu.vector_load %arg6[%parallel_loop3A_457, %parallel_loop3A_458] {strides = array<i32>} : memref<8x1024xf32, #tpu.memory_space<vmem>>, vector<1x16xf32>,
        %parallel_loop3A_460 = vector.shape_cast %parallel_loop3A_459 : vector<1x16xf32> to vector<16xf32>
        %parallel_loop3A_461 = arith.index_cast %parallel_loop3A_438 : i32 to index
        %parallel_loop3A_462 = arith.index_cast %parallel_loop3A_456 : i32 to index
        %parallel_loop3A_463 = tpu.vector_load %arg13[%parallel_loop3A_461, %parallel_loop3A_462] {strides = array<i32>} : memref<8x1024xf32, #tpu.memory_space<vmem>>, vector<1x16xf32>,
        %parallel_loop3A_464 = vector.shape_cast %parallel_loop3A_463 : vector<1x16xf32> to vector<16xf32>
        %parallel_loop3A_465 = vector.shape_cast %parallel_loop3A_460 : vector<16xf32> to vector<1x16xf32>
        tpu.vector_store %arg13[%parallel_loop3A_461, %parallel_loop3A_462], %parallel_loop3A_465 {add = true, strides = array<i32>} : memref<8x1024xf32, #tpu.memory_space<vmem>>, vector<1x16xf32>,
      } {sc.loop_unroll_factor = 8 : i64, sc.parallel_access}
      %dma_start3A_365 = arith.constant 2 : i32
      %dma_start3A_366 = arith.constant 0 : i32
      %dma_start3A_367 = tpu.memref_slice %arg4[%dma_start3A_365, %add3A_337, %dma_start3A_366] : memref<4x8192x1024xf32, #tpu.memory_space<hbm>> -> memref<1x8x1024xf32, #tpu.memory_space<hbm>>
      %dma_start3A_368 = tpu.memref_squeeze %dma_start3A_367 : memref<1x8x1024xf32, #tpu.memory_space<hbm>> -> memref<8x1024xf32, #tpu.memory_space<hbm>>
      %dma_start3A_369 = arith.constant 0 : i32
      %dma_start3A_370 = tpu.memref_slice %arg4[%dma_start3A_365, %add3A_337, %dma_start3A_369] : memref<4x8192x1024xf32, #tpu.memory_space<hbm>> -> memref<1x8x1024xf32, #tpu.memory_space<hbm>>
      %dma_start3A_371 = tpu.memref_squeeze %dma_start3A_370 : memref<1x8x1024xf32, #tpu.memory_space<hbm>> -> memref<8x1024xf32, #tpu.memory_space<hbm>>
      tpu.enqueue_dma source(%arg13 : memref<8x1024xf32, #tpu.memory_space<vmem>>) target(%dma_start3A_371 : memref<8x1024xf32, #tpu.memory_space<hbm>>) target_semaphore(%arg31 : memref<!tpu.dma_semaphore, #tpu.memory_space<semaphore_mem>>)
      %mul3A_372 = arith.constant 2 : i32
      %mul3A_373 = arith.muli %mul3A_372, %scan3A_69 : i32
      %add3A_374 = arith.constant 1 : i32
      %add3A_375 = arith.addi %mul3A_373, %add3A_374 : i32
      %mul3A_376 = arith.constant 8 : i32
      %mul3A_377 = arith.muli %add3A_375, %mul3A_376 : i32
      %add3A_378 = arith.addi %mul3A_2, %mul3A_377 : i32
      %dma_wait3A_379 = arith.constant 0 : i32
      %dma_wait3A_380 = arith.constant 0 : i32
      %dma_wait3A_381 = tpu.memref_slice %arg4[%dma_wait3A_379, %add3A_378, %dma_wait3A_380] : memref<4x8192x1024xf32, #tpu.memory_space<hbm>> -> memref<1x8x1024xf32, #tpu.memory_space<hbm>>
      %dma_wait3A_382 = tpu.memref_squeeze %dma_wait3A_381 : memref<1x8x1024xf32, #tpu.memory_space<hbm>> -> memref<8x1024xf32, #tpu.memory_space<hbm>>
      %dma_wait3A_383 = arith.constant 0 : i32
      %dma_wait3A_384 = tpu.memref_slice %arg4[%dma_wait3A_379, %add3A_378, %dma_wait3A_383] : memref<4x8192x1024xf32, #tpu.memory_space<hbm>> -> memref<1x8x1024xf32, #tpu.memory_space<hbm>>
      %dma_wait3A_385 = tpu.memref_squeeze %dma_wait3A_384 : memref<1x8x1024xf32, #tpu.memory_space<hbm>> -> memref<8x1024xf32, #tpu.memory_space<hbm>>
      tpu.wait_dma2 semaphore(%arg28 : memref<!tpu.dma_semaphore, #tpu.memory_space<semaphore_mem>>) src(%arg10 : memref<8x1024xf32, #tpu.memory_space<vmem>>) dst(%dma_wait3A_385 : memref<8x1024xf32, #tpu.memory_space<hbm>>)
      %add3A_386 = arith.constant 1 : i32
      %add3A_387 = arith.addi %add3A_375, %add3A_386 : i32
      %mul3A_388 = arith.constant 8 : i32
      %mul3A_389 = arith.muli %add3A_387, %mul3A_388 : i32
      %add3A_390 = arith.addi %mul3A_2, %mul3A_389 : i32
      %lt3A_391 = arith.constant 15 : i32
      %lt3A_392 = arith.cmpi slt, %scan3A_69, %lt3A_391 : i32
      %convert_element_type3A_393 = arith.extui %lt3A_392 : i1 to i32
      %cond3A_394 = arith.constant 0 : i32
      %cond3A_395 = arith.cmpi ne, %convert_element_type3A_393, %cond3A_394 : i32
      scf.if %cond3A_395 {
        %dma_start3A_414 = arith.constant 3 : i32
        %dma_start3A_415 = arith.constant 0 : i32
        %dma_start3A_416 = tpu.memref_slice %arg2[%dma_start3A_414, %add3A_390, %dma_start3A_415] : memref<4x8192x1024xf32, #tpu.memory_space<hbm>> -> memref<1x8x1024xf32, #tpu.memory_space<hbm>>
        %dma_start3A_417 = tpu.memref_squeeze %dma_start3A_416 : memref<1x8x1024xf32, #tpu.memory_space<hbm>> -> memref<8x1024xf32, #tpu.memory_space<hbm>>
        %dma_start3A_418 = arith.constant 0 : i32
        %dma_start3A_419 = tpu.memref_slice %arg2[%dma_start3A_414, %add3A_390, %dma_start3A_418] : memref<4x8192x1024xf32, #tpu.memory_space<hbm>> -> memref<1x8x1024xf32, #tpu.memory_space<hbm>>
        %dma_start3A_420 = tpu.memref_squeeze %dma_start3A_419 : memref<1x8x1024xf32, #tpu.memory_space<hbm>> -> memref<8x1024xf32, #tpu.memory_space<hbm>>
        tpu.enqueue_dma source(%dma_start3A_420 : memref<8x1024xf32, #tpu.memory_space<hbm>>) target(%arg10 : memref<8x1024xf32, #tpu.memory_space<vmem>>) target_semaphore(%arg20 : memref<!tpu.dma_semaphore, #tpu.memory_space<semaphore_mem>>)
      } else {
      }
      %dma_wait3A_396 = arith.constant 3 : i32
      %dma_wait3A_397 = arith.constant 0 : i32
      %dma_wait3A_398 = tpu.memref_slice %arg2[%dma_wait3A_396, %add3A_378, %dma_wait3A_397] : memref<4x8192x1024xf32, #tpu.memory_space<hbm>> -> memref<1x8x1024xf32, #tpu.memory_space<hbm>>
      %dma_wait3A_399 = tpu.memref_squeeze %dma_wait3A_398 : memref<1x8x1024xf32, #tpu.memory_space<hbm>> -> memref<8x1024xf32, #tpu.memory_space<hbm>>
      %dma_wait3A_400 = arith.constant 0 : i32
      %dma_wait3A_401 = tpu.memref_slice %arg2[%dma_wait3A_396, %add3A_378, %dma_wait3A_400] : memref<4x8192x1024xf32, #tpu.memory_space<hbm>> -> memref<1x8x1024xf32, #tpu.memory_space<hbm>>
      %dma_wait3A_402 = tpu.memref_squeeze %dma_wait3A_401 : memref<1x8x1024xf32, #tpu.memory_space<hbm>> -> memref<8x1024xf32, #tpu.memory_space<hbm>>
      tpu.wait_dma2 semaphore(%arg24 : memref<!tpu.dma_semaphore, #tpu.memory_space<semaphore_mem>>) src(%dma_wait3A_402 : memref<8x1024xf32, #tpu.memory_space<hbm>>) dst(%arg14 : memref<8x1024xf32, #tpu.memory_space<vmem>>)
      %parallel_loop3A_403 = arith.constant 0 : i32
      %parallel_loop3A_404 = arith.constant 512 : i32
      %parallel_loop3A_405 = arith.constant 1 : i32
      scf.for %parallel_loop3A_414 = %parallel_loop3A_403 to %parallel_loop3A_404 step %parallel_loop3A_405  : i32 {
        %parallel_loop3A_415 = arith.constant 64 : i32
        %parallel_loop3A_416 = arith.divsi %parallel_loop3A_414, %parallel_loop3A_415 : i32
        %parallel_loop3A_417 = arith.constant 0 : i32
        %parallel_loop3A_418 = arith.cmpi sgt, %parallel_loop3A_414, %parallel_loop3A_417 : i32
        %parallel_loop3A_419 = arith.extui %parallel_loop3A_418 : i1 to i32
        %parallel_loop3A_420 = arith.constant 0 : i32
        %parallel_loop3A_421 = arith.cmpi slt, %parallel_loop3A_414, %parallel_loop3A_420 : i32
        %parallel_loop3A_422 = arith.extui %parallel_loop3A_421 : i1 to i32
        %parallel_loop3A_423 = arith.subi %parallel_loop3A_419, %parallel_loop3A_422 : i32
        %parallel_loop3A_424 = arith.constant 0 : i32
        %parallel_loop3A_425 = arith.cmpi sgt, %parallel_loop3A_415, %parallel_loop3A_424 : i32
        %parallel_loop3A_426 = arith.extui %parallel_loop3A_425 : i1 to i32
        %parallel_loop3A_427 = arith.constant 0 : i32
        %parallel_loop3A_428 = arith.cmpi slt, %parallel_loop3A_415, %parallel_loop3A_427 : i32
        %parallel_loop3A_429 = arith.extui %parallel_loop3A_428 : i1 to i32
        %parallel_loop3A_430 = arith.subi %parallel_loop3A_426, %parallel_loop3A_429 : i32
        %parallel_loop3A_431 = arith.cmpi ne, %parallel_loop3A_423, %parallel_loop3A_430 : i32
        %parallel_loop3A_432 = arith.remsi %parallel_loop3A_414, %parallel_loop3A_415 : i32
        %parallel_loop3A_433 = arith.constant 0 : i32
        %parallel_loop3A_434 = arith.cmpi ne, %parallel_loop3A_432, %parallel_loop3A_433 : i32
        %parallel_loop3A_435 = arith.andi %parallel_loop3A_431, %parallel_loop3A_434 : i1
        %parallel_loop3A_436 = arith.constant 1 : i32
        %parallel_loop3A_437 = arith.subi %parallel_loop3A_416, %parallel_loop3A_436 : i32
        %parallel_loop3A_438 = arith.select %parallel_loop3A_435, %parallel_loop3A_437, %parallel_loop3A_416 : i32
        %parallel_loop3A_439 = arith.constant 64 : i32
        %parallel_loop3A_440 = arith.constant 0 : i32
        %parallel_loop3A_441 = arith.cmpi eq, %parallel_loop3A_439, %parallel_loop3A_440 : i32
        %parallel_loop3A_442 = arith.constant 1 : i32
        %parallel_loop3A_443 = arith.select %parallel_loop3A_441, %parallel_loop3A_442, %parallel_loop3A_439 : i32
        %parallel_loop3A_444 = arith.remsi %parallel_loop3A_414, %parallel_loop3A_443 : i32
        %parallel_loop3A_445 = arith.constant 0 : i32
        %parallel_loop3A_446 = arith.cmpi ne, %parallel_loop3A_444, %parallel_loop3A_445 : i32
        %parallel_loop3A_447 = arith.constant 0 : i32
        %parallel_loop3A_448 = arith.cmpi slt, %parallel_loop3A_444, %parallel_loop3A_447 : i32
        %parallel_loop3A_449 = arith.constant 0 : i32
        %parallel_loop3A_450 = arith.cmpi slt, %parallel_loop3A_443, %parallel_loop3A_449 : i32
        %parallel_loop3A_451 = arith.xori %parallel_loop3A_448, %parallel_loop3A_450 : i1
        %parallel_loop3A_452 = arith.andi %parallel_loop3A_451, %parallel_loop3A_446 : i1
        %parallel_loop3A_453 = arith.addi %parallel_loop3A_444, %parallel_loop3A_443 : i32
        %parallel_loop3A_454 = arith.select %parallel_loop3A_452, %parallel_loop3A_453, %parallel_loop3A_444 : i32
        %parallel_loop3A_455 = arith.constant 16 : i32
        %parallel_loop3A_456 = arith.muli %parallel_loop3A_454, %parallel_loop3A_455 : i32
        %parallel_loop3A_457 = arith.index_cast %parallel_loop3A_438 : i32 to index
        %parallel_loop3A_458 = arith.index_cast %parallel_loop3A_456 : i32 to index
        %parallel_loop3A_459 = tpu.vector_load %arg6[%parallel_loop3A_457, %parallel_loop3A_458] {strides = array<i32>} : memref<8x1024xf32, #tpu.memory_space<vmem>>, vector<1x16xf32>,
        %parallel_loop3A_460 = vector.shape_cast %parallel_loop3A_459 : vector<1x16xf32> to vector<16xf32>
        %parallel_loop3A_461 = arith.index_cast %parallel_loop3A_438 : i32 to index
        %parallel_loop3A_462 = arith.index_cast %parallel_loop3A_456 : i32 to index
        %parallel_loop3A_463 = tpu.vector_load %arg14[%parallel_loop3A_461, %parallel_loop3A_462] {strides = array<i32>} : memref<8x1024xf32, #tpu.memory_space<vmem>>, vector<1x16xf32>,
        %parallel_loop3A_464 = vector.shape_cast %parallel_loop3A_463 : vector<1x16xf32> to vector<16xf32>
        %parallel_loop3A_465 = vector.shape_cast %parallel_loop3A_460 : vector<16xf32> to vector<1x16xf32>
        tpu.vector_store %arg14[%parallel_loop3A_461, %parallel_loop3A_462], %parallel_loop3A_465 {add = true, strides = array<i32>} : memref<8x1024xf32, #tpu.memory_space<vmem>>, vector<1x16xf32>,
      } {sc.loop_unroll_factor = 8 : i64, sc.parallel_access}
      %dma_start3A_406 = arith.constant 3 : i32
      %dma_start3A_407 = arith.constant 0 : i32
      %dma_start3A_408 = tpu.memref_slice %arg4[%dma_start3A_406, %add3A_378, %dma_start3A_407] : memref<4x8192x1024xf32, #tpu.memory_space<hbm>> -> memref<1x8x1024xf32, #tpu.memory_space<hbm>>
      %dma_start3A_409 = tpu.memref_squeeze %dma_start3A_408 : memref<1x8x1024xf32, #tpu.memory_space<hbm>> -> memref<8x1024xf32, #tpu.memory_space<hbm>>
      %dma_start3A_410 = arith.constant 0 : i32
      %dma_start3A_411 = tpu.memref_slice %arg4[%dma_start3A_406, %add3A_378, %dma_start3A_410] : memref<4x8192x1024xf32, #tpu.memory_space<hbm>> -> memref<1x8x1024xf32, #tpu.memory_space<hbm>>
      %dma_start3A_412 = tpu.memref_squeeze %dma_start3A_411 : memref<1x8x1024xf32, #tpu.memory_space<hbm>> -> memref<8x1024xf32, #tpu.memory_space<hbm>>
      tpu.enqueue_dma source(%arg14 : memref<8x1024xf32, #tpu.memory_space<vmem>>) target(%dma_start3A_412 : memref<8x1024xf32, #tpu.memory_space<hbm>>) target_semaphore(%arg32 : memref<!tpu.dma_semaphore, #tpu.memory_space<semaphore_mem>>)
      %scan3A_413 = arith.constant 0 : i32
      scf.yield %scan3A_413 : i32
    }
    %scan3A_39 = arith.constant 16 : i32
    %add3A_40 = arith.constant 248 : i32
    %add3A_41 = arith.addi %mul3A_2, %add3A_40 : i32
    %dma_wait3A = arith.constant 0 : i32
    %dma_wait3A_42 = arith.constant 0 : i32
    %dma_wait3A_43 = tpu.memref_slice %arg4[%dma_wait3A, %add3A_41, %dma_wait3A_42] : memref<4x8192x1024xf32, #tpu.memory_space<hbm>> -> memref<1x8x1024xf32, #tpu.memory_space<hbm>>
    %dma_wait3A_44 = tpu.memref_squeeze %dma_wait3A_43 : memref<1x8x1024xf32, #tpu.memory_space<hbm>> -> memref<8x1024xf32, #tpu.memory_space<hbm>>
    %dma_wait3A_45 = arith.constant 0 : i32
    %dma_wait3A_46 = tpu.memref_slice %arg4[%dma_wait3A, %add3A_41, %dma_wait3A_45] : memref<4x8192x1024xf32, #tpu.memory_space<hbm>> -> memref<1x8x1024xf32, #tpu.memory_space<hbm>>
    %dma_wait3A_47 = tpu.memref_squeeze %dma_wait3A_46 : memref<1x8x1024xf32, #tpu.memory_space<hbm>> -> memref<8x1024xf32, #tpu.memory_space<hbm>>
    tpu.wait_dma2 semaphore(%arg29 : memref<!tpu.dma_semaphore, #tpu.memory_space<semaphore_mem>>) src(%arg11 : memref<8x1024xf32, #tpu.memory_space<vmem>>) dst(%dma_wait3A_47 : memref<8x1024xf32, #tpu.memory_space<hbm>>)
    %dma_wait3A_48 = arith.constant 1 : i32
    %dma_wait3A_49 = arith.constant 0 : i32
    %dma_wait3A_50 = tpu.memref_slice %arg4[%dma_wait3A_48, %add3A_41, %dma_wait3A_49] : memref<4x8192x1024xf32, #tpu.memory_space<hbm>> -> memref<1x8x1024xf32, #tpu.memory_space<hbm>>
    %dma_wait3A_51 = tpu.memref_squeeze %dma_wait3A_50 : memref<1x8x1024xf32, #tpu.memory_space<hbm>> -> memref<8x1024xf32, #tpu.memory_space<hbm>>
    %dma_wait3A_52 = arith.constant 0 : i32
    %dma_wait3A_53 = tpu.memref_slice %arg4[%dma_wait3A_48, %add3A_41, %dma_wait3A_52] : memref<4x8192x1024xf32, #tpu.memory_space<hbm>> -> memref<1x8x1024xf32, #tpu.memory_space<hbm>>
    %dma_wait3A_54 = tpu.memref_squeeze %dma_wait3A_53 : memref<1x8x1024xf32, #tpu.memory_space<hbm>> -> memref<8x1024xf32, #tpu.memory_space<hbm>>
    tpu.wait_dma2 semaphore(%arg30 : memref<!tpu.dma_semaphore, #tpu.memory_space<semaphore_mem>>) src(%arg12 : memref<8x1024xf32, #tpu.memory_space<vmem>>) dst(%dma_wait3A_54 : memref<8x1024xf32, #tpu.memory_space<hbm>>)
    %dma_wait3A_55 = arith.constant 2 : i32
    %dma_wait3A_56 = arith.constant 0 : i32
    %dma_wait3A_57 = tpu.memref_slice %arg4[%dma_wait3A_55, %add3A_41, %dma_wait3A_56] : memref<4x8192x1024xf32, #tpu.memory_space<hbm>> -> memref<1x8x1024xf32, #tpu.memory_space<hbm>>
    %dma_wait3A_58 = tpu.memref_squeeze %dma_wait3A_57 : memref<1x8x1024xf32, #tpu.memory_space<hbm>> -> memref<8x1024xf32, #tpu.memory_space<hbm>>
    %dma_wait3A_59 = arith.constant 0 : i32
    %dma_wait3A_60 = tpu.memref_slice %arg4[%dma_wait3A_55, %add3A_41, %dma_wait3A_59] : memref<4x8192x1024xf32, #tpu.memory_space<hbm>> -> memref<1x8x1024xf32, #tpu.memory_space<hbm>>
    %dma_wait3A_61 = tpu.memref_squeeze %dma_wait3A_60 : memref<1x8x1024xf32, #tpu.memory_space<hbm>> -> memref<8x1024xf32, #tpu.memory_space<hbm>>
    tpu.wait_dma2 semaphore(%arg31 : memref<!tpu.dma_semaphore, #tpu.memory_space<semaphore_mem>>) src(%arg13 : memref<8x1024xf32, #tpu.memory_space<vmem>>) dst(%dma_wait3A_61 : memref<8x1024xf32, #tpu.memory_space<hbm>>)
    %dma_wait3A_62 = arith.constant 3 : i32
    %dma_wait3A_63 = arith.constant 0 : i32
    %dma_wait3A_64 = tpu.memref_slice %arg4[%dma_wait3A_62, %add3A_41, %dma_wait3A_63] : memref<4x8192x1024xf32, #tpu.memory_space<hbm>> -> memref<1x8x1024xf32, #tpu.memory_space<hbm>>
    %dma_wait3A_65 = tpu.memref_squeeze %dma_wait3A_64 : memref<1x8x1024xf32, #tpu.memory_space<hbm>> -> memref<8x1024xf32, #tpu.memory_space<hbm>>
    %dma_wait3A_66 = arith.constant 0 : i32
    %dma_wait3A_67 = tpu.memref_slice %arg4[%dma_wait3A_62, %add3A_41, %dma_wait3A_66] : memref<4x8192x1024xf32, #tpu.memory_space<hbm>> -> memref<1x8x1024xf32, #tpu.memory_space<hbm>>
    %dma_wait3A_68 = tpu.memref_squeeze %dma_wait3A_67 : memref<1x8x1024xf32, #tpu.memory_space<hbm>> -> memref<8x1024xf32, #tpu.memory_space<hbm>>
    tpu.wait_dma2 semaphore(%arg32 : memref<!tpu.dma_semaphore, #tpu.memory_space<semaphore_mem>>) src(%arg14 : memref<8x1024xf32, #tpu.memory_space<vmem>>) dst(%dma_wait3A_68 : memref<8x1024xf32, #tpu.memory_space<hbm>>)
    return
  }
}

</mosaic_0001>

<sc_bundles>
// kernel: kernel.3.cloned.1.call-start
scs
__scs_entry_jumppad:
0x0: {  	(pc) =	sbr.rel $0x88, $3  }
0x1: {  	(tag) =	ssettag $0x0;
	lr =	simm.s32 $0x1  }
0x2: {  	[smem:$0x3F9F] =	sst lr;
	_ =	strace $0xD0000000  }
0x3: {  	_ = 	snop  }
0x4: {  	_ = 	snop  }
0x5: {  	_ = 	snop  }
0x6: {  	_ = 	snop  }
0x7: {  	_ = 	snop  }
__scs_overlays_trampoline_lowered:
0x8: {  	[smem:$0x3FAE] =	sst s0  }
0x9: {  	[smem:$0x3FAF] =	sst s1  }
0xa: {  	[smem:$0x3FB0] =	sst s2  }
0xb: {  	[smem:$0x3FB1] =	sst s3  }
0xc: {  	[smem:$0x3FB2] =	sst s4  }
0xd: {  	[smem:$0x3FB3] =	sst s5  }
0xe: {  	[smem:$0x3FB4] =	sst s6  }
0xf: {  	[smem:$0x3FB5] =	sst s7  }
0x10: {  	[smem:$0x3FB6] =	sst s8  }
0x11: {  	[smem:$0x3FB7] =	sst s9;
	s0 =	simm.s32 @!p0 $0x0  }
0x12: {  	s1 =	sld [smem:$0x3F9D];
	s0 =	simm.s32 @p0 $0x1  }
0x13: {  	[smem:$0x3FB8] =	sst s0;
	s0 =	simm.s32 @!p1 $0x0  }
0x14: {  	s2 =	sld [smem:$0x3F9C];
	s0 =	simm.s32 @p1 $0x1  }
0x15: {  	[smem:$0x3FB9] =	sst s0;
	s0 =	simm.s32 @!p2 $0x0  }
0x16: {  	s3 =	sld [smem:$0x3FDB];
	s0 =	simm.s32 @p2 $0x1  }
0x17: {  	s4 =	simm.s32 $0x1BF5;
	[smem:$0x3FBB] =	sst s0  }
0x18: {  	s0 =	sld [smem:$0x3F9E];
	_ =	swait.ge [sflag:s4], $0x0  }
0x19: {  	s7 =	sld [smem:$0x3F9F]  }
0x1a: {  	s8 =	sadd.s32 $0xFFFFE003, lr  }
0x1b: {  	s9 =	sadd.s32 $0xFFFFFEF7, lr;
	s5 =	simm.s32 $0xFFFFFFFF;
	p2 =	slt.u32 s8, $0xFFFFF086  }
0x1c: {  	p1 =	slt.u32 s9, $0xF7A;
	s5 =	simm.s32 @!p2 $0x0  }
0x1d: {  	s5 =	simm.s32 @p1 $0x1;
	p0 =	seq.s32 s7, s2  }
0x1e: {  	s7 =	smul.u32 @!p0 $0xF7A, s2;
	p2 =	seq.s32 @!p0 s5, $0x0  }
0x1f: {  	s9 =	smul.u32 $0xF7A, s1;
	s8 =	simm.s32 @!p0 $0x1BF5;
	p2 =	por !p2, p0  }
0x20: {  	[sflag:s8] =	ssyncset.s32 @!p0 $0xFFFFF086;
	s6 =	sadd.s32 @!p0 s3, s7;
	s7 =	simm.s32 @!p0 $0x108  }
0x21: {  	s3 =	sadd.s32 s3, s9;
	s6 =	sadd.s32 @!p0 $0x88, s6;
	s7 =	simm.s32 @p2 $0x1082  }
0x22: {  	[simem:s7], [sflag:s8] =	dma.local @!p0 [hbm:s6], $0xF7A  }
0x23: {  	s9 =	sor.u32 $0xD0000000, s2;
	s6 =	simm.s32 $0x108;
	_ =	swait.ge @!p0 [sflag:s8], $0x0  }
0x24: {  	s3 =	sadd.s32 $0x88, s3;
	s6 =	simm.s32 @!p1 $0x1082;
	[sflag:s4] =	ssyncset.s32 $0xFFFFF086  }
0x25: {  	[simem:s6], [sflag:s4] =	dma.local [hbm:s3], $0xF7A  }
0x26: {  	[smem:$0x3F9F] =	sst s1;
	(tag) =	ssettag s2;
	_ =	strace s9  }
0x27: {  	s1 =	sld [smem:$0x3FAF]  }
0x28: {  	s2 =	sld [smem:$0x3FB0]  }
0x29: {  	s4 =	sld [smem:$0x3FB2]  }
0x2a: {  	p0 =	seq.s32 s5, $0x0;
	s5 =	sld [smem:$0x3FB3]  }
0x2b: {  	s6 =	sld [smem:$0x3FB4]  }
0x2c: {  	s7 =	sld [smem:$0x3FB5]  }
0x2d: {  	s3 =	simm.s32 $0x108;
	s8 =	sld [smem:$0x3FB6]  }
0x2e: {  	s3 =	simm.s32 @!p0 $0x1082;
	s9 =	sld [smem:$0x3FB7]  }
0x2f: {  	lr =	sadd.s32 s0, s3;
	s0 =	sld [smem:$0x3FAE]  }
0x30: {  	s3 =	sld [smem:$0x3FB1]  }
0x31: {  	[smem:$0x3FBA] =	sst s10  }
0x32: {  	s10 =	sld [smem:$0x3FB8];
	_ =	sdelay $0x3  }
0x33: {  	p0 =	seq.s32 s10, $0x1;
	s10 =	sld [smem:$0x3FBA];
	_ =	sdelay $0x3  }
0x34: {  	[smem:$0x3FBA] =	sst s10  }
0x35: {  	s10 =	sld [smem:$0x3FB9];
	_ =	sdelay $0x3  }
0x36: {  	p1 =	seq.s32 s10, $0x1;
	s10 =	sld [smem:$0x3FBA];
	_ =	sdelay $0x3  }
0x37: {  	[smem:$0x3FBA] =	sst s10  }
0x38: {  	s10 =	sld [smem:$0x3FBB]  }
0x39: {  	_ = 	snop;
	(pc) =	sbr.ind lr, $3  }
0x3a: {  	_ = 	snop  }
0x3b: {  	_ = 	snop  }
0x3c: {  	p2 =	seq.s32 s10, $0x1;
	s10 =	sld [smem:$0x3FBA]  }
0x3d: {  	_ =	shalt  }
0x3e: {  	_ =	shalt  }
0x3f: {  	_ =	shalt  }
0x40: {  	_ =	shalt  }
0x41: {  	_ =	shalt  }
0x42: {  	_ =	shalt  }
0x43: {  	_ =	shalt  }
0x44: {  	_ =	shalt  }
0x45: {  	_ =	shalt  }
0x46: {  	_ =	shalt  }
0x47: {  	_ =	shalt  }
0x48: {  	_ =	shalt  }
0x49: {  	_ =	shalt  }
0x4a: {  	_ =	shalt  }
0x4b: {  	_ =	shalt  }
0x4c: {  	_ =	shalt  }
0x4d: {  	_ =	shalt  }
0x4e: {  	_ =	shalt  }
0x4f: {  	_ =	shalt  }
0x50: {  	_ =	shalt  }
0x51: {  	_ =	shalt  }
0x52: {  	_ =	shalt  }
0x53: {  	_ =	shalt  }
0x54: {  	_ =	shalt  }
0x55: {  	_ =	shalt  }
0x56: {  	_ =	shalt  }
0x57: {  	_ =	shalt  }
0x58: {  	_ =	shalt  }
0x59: {  	_ =	shalt  }
0x5a: {  	_ =	shalt  }
0x5b: {  	_ =	shalt  }
0x5c: {  	_ =	shalt  }
0x5d: {  	_ =	shalt  }
0x5e: {  	_ =	shalt  }
0x5f: {  	_ =	shalt  }
0x60: {  	_ =	shalt  }
0x61: {  	_ =	shalt  }
0x62: {  	_ =	shalt  }
0x63: {  	_ =	shalt  }
0x64: {  	_ =	shalt  }
0x65: {  	_ =	shalt  }
0x66: {  	_ =	shalt  }
0x67: {  	_ =	shalt  }
0x68: {  	_ =	shalt  }
0x69: {  	_ =	shalt  }
0x6a: {  	_ =	shalt  }
0x6b: {  	_ =	shalt  }
0x6c: {  	_ =	shalt  }
0x6d: {  	_ =	shalt  }
0x6e: {  	_ =	shalt  }
0x6f: {  	_ =	shalt  }
0x70: {  	_ =	shalt  }
0x71: {  	_ =	shalt  }
0x72: {  	_ =	shalt  }
0x73: {  	_ =	shalt  }
0x74: {  	_ =	shalt  }
0x75: {  	_ =	shalt  }
0x76: {  	_ =	shalt  }
0x77: {  	_ =	shalt  }
0x78: {  	_ =	shalt  }
0x79: {  	_ =	shalt  }
0x7a: {  	_ =	shalt  }
0x7b: {  	_ =	shalt  }
0x7c: {  	_ =	shalt  }
0x7d: {  	_ =	shalt  }
0x7e: {  	_ =	shalt  }
0x7f: {  	_ =	shalt  }
0x80: {  	_ =	shalt  }
0x81: {  	_ =	shalt  }
0x82: {  	_ =	shalt  }
0x83: {  	_ =	shalt  }
0x84: {  	_ =	shalt  }
0x85: {  	_ =	shalt  }
0x86: {  	_ =	shalt  }
0x87: {  	_ =	shalt  }
.Lfunc_end0:
.L_simem_size_0:
called_computation_lowered:
.L_overlay_start_0:
0x88: {  	s2 =	sld [smem:$0x3FD9]  }
0x89: {  	s3 =	sld [smem:$0x3FFE];
	_ =	sdelay $0x1  }
0x8a: {  	s1 =	srdreg.scid  }
0x8b: {  	s0 =	sand.u32 $0x1, s1  }
0x8c: {  	s18 =	sshll.u32 s0, $0xA;
	s2 =	sadd.s32 s3, s2  }
0x8d: {  	s2 =	sadd.s32 s2, s18  }
0x8e: {  	[smem:$0x3FC6] =	sst s2  }
0x8f: {  	_ = 	snop  }
0x90: {  	s2 =	sld [smem:$0x3FC9]  }
0x91: {  	s19 =	sld [smem:$0x3FC8]  }
0x92: {  	s4 =	sld [smem:$0x3FD0];
	(tm) =	ssettm $0x1  }
0x93: {  	s5 =	sld [smem:$0x3FFB];
	_ =	sdelay $0x3  }
0x94: {  	_ =	strace s5  }
0x95: {  	s5 =	sld [smem:$0x3FFC];
	_ =	sdelay $0x3  }
0x96: {  	_ =	strace s5  }
0x97: {  	s5 =	sld [smem:$0x3FFD];
	_ =	sdelay $0x3  }
0x98: {  	_ =	strace s5  }
0x99: {  	_ =	strace $0x8FFFFFFF  }
0x9a: {  	s20 =	sld [smem:$0x3FDB];
	_ =	sdelay $0x1  }
0x9b: {  	s6 =	simm.s32 $_scs_section_size  }
0x9c: {  	s7 =	simm.s32 $_size__tile_overlayer_lowered;
	s8 =	simm.s32 $_tile_overlayer_lowered  }
0x9d: {  	s23 =	simm.s32 $0x1BFF;
	s22 =	sshll.u32 s8, $0x1;
	s5 =	sadd.s32 s6, s20  }
0x9e: {  	s9 =	simm.s32 $0x0;
	s21 =	sshll.u32 s7, $0x1;
	s7 =	sadd.s32 s22, s5  }
0x9f: {  	[timem:s9], [sflag:s23] =	dma.local [hbm:s7], s21  }
0xa0: {  	_ =	swait.ge [sflag:s23], s21  }
0xa1: {  	s6 =	ssub.s32 $0x0, s21;
	[sflag:s23] =	ssyncset.done $0x0  }
0xa2: {  	[sflag:s23] =	ssyncadd.s32 s6;
	_ =	sdelay $0x1  }
0xa3: {  	s24 =	simm.s32 $0x1B8B  }
0xa4: {  	_ =	swait.ge [sflag:s24], $0x1  }
0xa5: {  	[sflag:s24] =	ssyncset.done $0x0  }
0xa6: {  	s25 =	simm.s32 $0x1B8E;
	[sflag:s24] =	ssyncadd.s32 $0xFFFFFFFF  }
0xa7: {  	s26 =	simm.s32 $execute0_lowered;
	[smem:$0x3FD2] =	sst s25  }
0xa8: {  	s6 =	sshll.u32 s26, $0x1;
	_ =	strace $0x80000046;
	[dreg:$0x1] =	wrdreg $0xFFFFFFFF  }
0xa9: {  	s28 =	simm.s32 $_size_execute0_lowered;
	s5 =	sadd.s32 s5, s6;
	[dreg:$0x0] =	wrdreg $0x0  }
0xaa: {  	s6 =	sshll.u32 s28, $0x1;
	[dreg:$0x2] =	wrdreg s5  }
0xab: {  	[dreg:$0x3] =	wrdreg s6  }
0xac: {  	[dreg:$0x4] =	wrdreg $0xC0  }
0xad: {  	_ =	task [dreg:s9], $0x5FFFF  }
0xae: {  	[dreg:$0x1] =	wrdreg $0xFFFFFFFF  }
0xaf: {  	[dreg:$0x0] =	wrdreg $0x60  }
0xb0: {  	[dreg:$0x2] =	wrdreg s2  }
0xb1: {  	[dreg:$0x3] =	wrdreg s19  }
0xb2: {  	[dreg:$0x4] =	wrdreg s4  }
0xb3: {  	[dreg:$0x5] =	wrdreg $0x9  }
0xb4: {  	_ =	task.clear_ibuf [dreg:s9], $0x6FFFF;
	_ =	strace $0x90000046  }
0xb5: {  	s29 =	simm.s32 $0x9;
	_ =	strace $0x80000048  }
0xb6: {  	_ =	swait.ge [sflag:s29], $0x1  }
0xb7: {  	[sflag:s29] =	ssyncadd.s32 $0xFFFFFFFF  }
0xb8: {  	_ =	strace $0x90000048  }
0xb9: {  	_ =	sfence  }
0xba: {  	s30 =	sld [smem:$0x0];
	_ =	sdelay $0x2  }
0xbb: {  	s31 =	sshll.u32 s1, $0xD;
	s1 =	sshrl.u32 s1, $0x2  }
0xbc: {  	s3 =	sand.u32 $0x4000, s31;
	s1 =	sadd.s32 s1, s30  }
0xbd: {  	s0 =	sor.u32 s3, s0;
	s1 =	sshll.u32 s1, $0x11  }
0xbe: {  	s0 =	sor.u32 s1, s0  }
0xbf: {  	s0 =	sadd.s32 $0x8F2B, s0  }
0xc0: {  	[sflag:s0] =	ssyncadd.remote.s32 $0x1  }
0xc1: {  	_ =	sfence.sel $0xFFFF  }
0xc2: {  	[dreg:$0x0] =	wrdreg $0xFFFFFFFF;
	(pc) =	sbr.abs _section_cstart, $3  }
0xc3: {  	[dreg:$0x1] =	wrdreg $0xFFFFFFFF  }
0xc4: {  	_ =	task.clear_ibuf [dreg:s9], $0x2FFFF;
	_ =	strace $0x9FFFFFFF  }
0xc5: {  	(tm) =	ssettm $0x7FFFFFFF  }
tec
execute0_lowered:
.L_overlay_start_1:
0x0: {  	(tag) =	ssettag $0x1  }
0x1: {  	s2 =	rddreg [dreg:$0x0]  }
0x2: {  	s0 =	rddreg [dreg:$0x1];
	s1 =	srdreg.scid  }
0x3: {  	s3 =	rddreg [dreg:$0x2];
	s4 =	stileid.u32;
	s30 =	simm.s32 $0xC000  }
0x4: {  	s10 =	simm.s32 $0xC;
	s6 =	sshll.u32 s4, $0x8;
	s4 =	simm.s32 $0x0  }
0x5: {  	s11 =	simm.s32 $0x8;
	s21 =	sadd.s32 $0x100000, s2;
	[smem:$0x7FF] =	sst s4  }
0x6: {  	s8 =	sadd.s32 $0x200000, s2;
	_ =	strace $0x80000047;
	[dreg:$0x7] =	wrdreg s21  }
0x7: {  	s13 =	simm.s32 $0xD;
	s23 =	sadd.s32 $0x300000, s2;
	[dreg:$0x8] =	wrdreg s8  }
0x8: {  	s28 =	simm.s32 $0xE;
	s24 =	sadd.s32 $0x100000, s3;
	[dreg:$0xb] =	wrdreg s23  }
0x9: {  	s1 =	sand.u32 $0x1, s1;
	s25 =	sadd.s32 $0x200000, s3;
	[dreg:$0xd] =	wrdreg s24  }
0xa: {  	s26 =	sadd.s32 $0x300000, s3;
	s5 =	sshll.u32 s1, $0xC;
	[dreg:$0xe] =	wrdreg s25  }
0xb: {  	s14 =	sadd.s32 $0x400, s0;
	s7 =	sor.u32 s6, s5;
	[dreg:$0xf] =	wrdreg s26  }
0xc: {  	s6 =	sshll.u32 s7, $0x7;
	[dreg:$0x4] =	wrdreg s7;
	s29 =	sor.u32 $0x10, s7  }
0xd: {  	s1 =	ssub.s32 $0x2, s1;
	s19 =	sadd.s32 s0, s6;
	[dreg:$0x10] =	wrdreg s29  }
0xe: {  	s18 =	sshrl.u32 s1, $0x1;
	s20 =	sadd.s32 s2, s6;
	[dreg:$0x5] =	wrdreg s19  }
0xf: {  	s1 =	ssub.s32 s1, s18;
	s5 =	sadd.s32 s6, s21;
	[dreg:$0x6] =	wrdreg s20  }
0x10: {  	s7 =	simm.s32 $0xB;
	s22 =	sadd.s32 s6, s8;
	[dreg:$0x9] =	wrdreg s5  }
0x11: {  	s31 =	smax.u32 s1, $0x1;
	[dreg:$0xa] =	wrdreg s22;
	s5 =	sadd.s32 s6, s23  }
0x12: {  	[dreg:$0x11] =	wrdreg s31;
	s6 =	simm.s32 $0x6;
	s19 =	simm.s32 $0x9  }
0x13: {  	s20 =	simm.s32 $0xA;
	[dreg:$0xc] =	wrdreg s5;
	s5 =	simm.s32 $0x0  }
.LBB2_1:
0x14: {  	[dreg:$0x12] =	wrdreg s5  }
0x15: {  	s0 =	rddreg [dreg:$0x5]  }
0x16: {  	[tilespmem:s4], [sflag:$0x1] =	stream.linear.gather [hbm4b:s0+s4], $0x2000, $0x38;
	[tilespmem:$0x14000] =	vst v63  }
0x17: {  	s22 =	rddreg [dreg:$0x6];
	s1 =	simm.s32 $0x4000  }
0x18: {  	[tilespmem:s1], [sflag:$0x3] =	stream.linear.gather [hbm4b:s22+s4], $0x2000, $0x38;
	[tilespmem:$0x14000] =	vst v63  }
0x19: {  	s23 =	rddreg [dreg:$0x9];
	s24 =	simm.s32 $0x6000  }
0x1a: {  	[tilespmem:s24], [sflag:$0x4] =	stream.linear.gather [hbm4b:s23+s4], $0x2000, $0x38;
	[tilespmem:$0x14000] =	vst v63  }
0x1b: {  	s25 =	rddreg [dreg:$0xa];
	s26 =	simm.s32 $0x8000  }
0x1c: {  	[tilespmem:s26], [sflag:$0x5] =	stream.linear.gather [hbm4b:s25+s4], $0x2000, $0x38;
	[tilespmem:$0x14000] =	vst v63  }
0x1d: {  	s29 =	rddreg [dreg:$0xc];
	s31 =	simm.s32 $0xA000;
	s21 =	simm.s32 $0x0  }
0x1e: {  	[tilespmem:s31], [sflag:$0x6] =	stream.linear.gather [hbm4b:s29+s4], $0x2000, $0x38;
	[tilespmem:$0x14000] =	vst v63  }
.LBB2_2:
0x1f: {  	s9 =	sshll.u32 s21, $0x4;
	p0 =	seq.s32 s21, $0x0;
	s0 =	rddreg [dreg:$0x4]  }
0x20: {  	s5 =	sor.u32 s0, s9;
	s15 =	simm.s32 @!p0 $0xF  }
0x21: {  	_ =	swait.ge @!p0 [sflag:s15], $0x2000;
	s12 =	sshll.u32 s5, $0x7  }
0x22: {  	s23 =	simm.s32 $0x3;
	[sflag:s15] =	ssyncset.done @!p0 $0x0;
	s8 =	sor.u32 $0x400, s12  }
0x23: {  	s5 =	simm.s32 $0x0;
	[sflag:s15] =	ssyncadd.s32 @!p0 $0xFFFFE000;
	s22 =	sadd.s32 s2, s8  }
0x24: {  	[tilespmem:s30], [sflag:$0x7] =	stream.linear.gather [hbm4b:s22+s5], $0x2000, $0x38;
	[tilespmem:$0x14000] =	vst v63  }
0x25: {  	_ =	swait.ge [sflag:s23], $0x2000  }
0x26: {  	[sflag:s23] =	ssyncset.done $0x0  }
0x27: {  	s24 =	simm.s32 $0x1;
	[sflag:s23] =	ssyncadd.s32 $0xFFFFE000  }
0x28: {  	s26 =	simm.s32 $0x2000;
	s29 =	sand.u32 $0x1C00, s5;
	_ =	swait.ge [sflag:s24], $0x2000  }
0x29: {  	s25 =	sadd.s32 s12, s14;
	s16 =	sor.u32 s29, s5;
	[sflag:s24] =	ssyncset.done $0x0  }
0x2a: {  	s17 =	sand.u32 $0x380, s5;
	s16 =	sor.u32 $0x70, s16;
	[sflag:s24] =	ssyncadd.s32 $0xFFFFE000  }
0x2b: {  	[tilespmem:s26], [sflag:$0x2] =	stream.linear.gather [hbm4b:s25+s5], $0x2000, $0x38;
	[tilespmem:$0x14000] =	vst v63  }
0x2c: {  	s17 =	sor.u32 s17, s29;
	v0 =	vld [tilespmem:s16+$0x0]  }
0x2d: {  	v3 =	vld [tilespmem:s17+$0x0]  }
0x2e: {  	v4 =	vld [tilespmem:s17+$0x10]  }
0x2f: {  	v5 =	vld [tilespmem:s17+$0x20]  }
0x30: {  	v6 =	vld [tilespmem:s17+$0x30]  }
0x31: {  	v2 =	vld [tilespmem:s17+$0x40]  }
0x32: {  	v1 =	vld [tilespmem:s17+$0x50]  }
0x33: {  	[tilespmem:s16+$0x4000] =	vst.add.f32.msk $0xffff, v0  }
0x34: {  	s15 =	sor.u32 $0x4000, s17;
	v0 =	vld [tilespmem:s17+$0x60]  }
0x35: {  	s30 =	sor.u32 $0x4010, s17;
	[tilespmem:s15+$0x0] =	vst.add.f32.msk $0xffff, v3  }
0x36: {  	s18 =	sor.u32 $0x4020, s17;
	[tilespmem:s30+$0x0] =	vst.add.f32.msk $0xffff, v4  }
0x37: {  	s31 =	sor.u32 $0x4030, s17;
	s22 =	sor.u32 $0x4040, s17;
	s15 =	simm.s32 $0x0;
	[tilespmem:s18+$0x0] =	vst.add.f32.msk $0xffff, v5  }
0x38: {  	s18 =	sor.u32 $0x4050, s17;
	s17 =	sor.u32 $0x4060, s17;
	[tilespmem:s31+$0x0] =	vst.add.f32.msk $0xffff, v6;
	s16 =	simm.s32 $0x400  }
.LBB2_3:
0x39: {  	s23 =	sand.u32 $0x1C00, s16;
	s15 =	sadd.s32 $0x8, s15;
	[tilespmem:s22+$0x0] =	vst.add.f32.msk $0xffff, v2;
	s5 =	sadd.s32 $0x10, s5  }
0x3a: {  	s22 =	sand.u32 $0x380, s5;
	s24 =	sor.u32 s23, s5;
	p1 =	slt.u32 s15, $0x1F8;
	[tilespmem:s18+$0x0] =	vst.add.f32.msk $0xffff, v1  }
0x3b: {  	s23 =	sor.u32 s22, s23;
	s24 =	sor.u32 $0x70, s24;
	[tilespmem:s17+$0x0] =	vst.add.f32.msk $0xffff, v0  }
0x3c: {  	s29 =	sor.u32 $0x4000, s23;
	s31 =	sor.u32 $0x4010, s23;
	s1 =	sor.u32 $0x4020, s23;
	v0 =	vld [tilespmem:s24+$0x0]  }
0x3d: {  	s25 =	sor.u32 $0x4030, s23;
	s22 =	sor.u32 $0x4040, s23;
	s18 =	sor.u32 $0x4050, s23;
	v3 =	vld [tilespmem:s23+$0x0]  }
0x3e: {  	s17 =	sor.u32 $0x4060, s23;
	v4 =	vld [tilespmem:s23+$0x10]  }
0x3f: {  	v5 =	vld [tilespmem:s23+$0x20]  }
0x40: {  	v6 =	vld [tilespmem:s23+$0x30]  }
0x41: {  	[tilespmem:s24+$0x4000] =	vst.add.f32.msk $0xffff, v0  }
0x42: {  	v2 =	vld [tilespmem:s23+$0x40]  }
0x43: {  	v1 =	vld [tilespmem:s23+$0x50]  }
.Ltmp0:
0x44: {  	v0 =	vld [tilespmem:s23+$0x60];
	(pc) =	sbr.rel @p1 .LBB2_3-.Ltmp0, $4  }
0x45: {  	[tilespmem:s29+$0x0] =	vst.add.f32.msk $0xffff, v3  }
0x46: {  	[tilespmem:s31+$0x0] =	vst.add.f32.msk $0xffff, v4  }
0x47: {  	[tilespmem:s1+$0x0] =	vst.add.f32.msk $0xffff, v5  }
0x48: {  	s16 =	sadd.s32 $0x400, s16;
	[tilespmem:s25+$0x0] =	vst.add.f32.msk $0xffff, v6  }
0x49: {  	[tilespmem:s22+$0x0] =	vst.add.f32.msk $0xffff, v2  }
0x4a: {  	[tilespmem:s18+$0x0] =	vst.add.f32.msk $0xffff, v1  }
0x4b: {  	[tilespmem:s17+$0x0] =	vst.add.f32.msk $0xffff, v0;
	s1 =	sadd.s32 s3, s12;
	s0 =	simm.s32 $0x4000  }
0x4c: {  	[hbm4b:s1+s4] =	stream.linear.scatter [tilespmem:s0], [sflag:$0xB], $0x2000, $0x38;
	[tilespmem:$0x14000] =	vst v63  }
0x4d: {  	s1 =	simm.s32 @!p0 $0x10  }
0x4e: {  	s22 =	sor.u32 $0x100400, s12;
	_ =	swait.ge @!p0 [sflag:s1], $0x2000  }
0x4f: {  	s5 =	simm.s32 $0x0;
	s24 =	simm.s32 $0xE000;
	[sflag:s1] =	ssyncset.done @!p0 $0x0  }
0x50: {  	s25 =	simm.s32 $0x4;
	s23 =	sadd.s32 s2, s22;
	[sflag:s1] =	ssyncadd.s32 @!p0 $0xFFFFE000  }
0x51: {  	[tilespmem:s24], [sflag:$0x8] =	stream.linear.gather [hbm4b:s23+s5], $0x2000, $0x38;
	[tilespmem:$0x14000] =	vst v63  }
0x52: {  	s26 =	sand.u32 $0x1C00, s5;
	_ =	swait.ge [sflag:s25], $0x2000  }
0x53: {  	s15 =	sor.u32 s26, s5;
	[sflag:s25] =	ssyncset.done $0x0  }
0x54: {  	s16 =	sand.u32 $0x380, s5;
	s15 =	sor.u32 $0x70, s15;
	[sflag:s25] =	ssyncadd.s32 $0xFFFFE000  }
0x55: {  	s1 =	sor.u32 s16, s26;
	v0 =	vld [tilespmem:s15+$0x0]  }
0x56: {  	v3 =	vld [tilespmem:s1+$0x0]  }
0x57: {  	v4 =	vld [tilespmem:s1+$0x10]  }
0x58: {  	v5 =	vld [tilespmem:s1+$0x20]  }
0x59: {  	v6 =	vld [tilespmem:s1+$0x30]  }
0x5a: {  	v2 =	vld [tilespmem:s1+$0x40]  }
0x5b: {  	v1 =	vld [tilespmem:s1+$0x50]  }
0x5c: {  	[tilespmem:s15+$0x6000] =	vst.add.f32.msk $0xffff, v0  }
0x5d: {  	s29 =	sor.u32 $0x6000, s1;
	v0 =	vld [tilespmem:s1+$0x60]  }
0x5e: {  	s16 =	sor.u32 $0x6010, s1;
	[tilespmem:s29+$0x0] =	vst.add.f32.msk $0xffff, v3  }
0x5f: {  	s30 =	sor.u32 $0x6020, s1;
	[tilespmem:s16+$0x0] =	vst.add.f32.msk $0xffff, v4  }
0x60: {  	s31 =	sor.u32 $0x6030, s1;
	s23 =	sor.u32 $0x6040, s1;
	s18 =	sor.u32 $0x6050, s1;
	[tilespmem:s30+$0x0] =	vst.add.f32.msk $0xffff, v5  }
0x61: {  	s17 =	sor.u32 $0x6060, s1;
	s15 =	simm.s32 $0x0;
	[tilespmem:s31+$0x0] =	vst.add.f32.msk $0xffff, v6;
	s16 =	simm.s32 $0x400  }
.LBB2_5:
0x62: {  	s1 =	sand.u32 $0x1C00, s16;
	s15 =	sadd.s32 $0x8, s15;
	[tilespmem:s23+$0x0] =	vst.add.f32.msk $0xffff, v2;
	s5 =	sadd.s32 $0x10, s5  }
0x63: {  	s23 =	sand.u32 $0x380, s5;
	s24 =	sor.u32 s1, s5;
	p1 =	slt.u32 s15, $0x1F8;
	[tilespmem:s18+$0x0] =	vst.add.f32.msk $0xffff, v1  }
0x64: {  	s1 =	sor.u32 s23, s1;
	s24 =	sor.u32 $0x70, s24;
	[tilespmem:s17+$0x0] =	vst.add.f32.msk $0xffff, v0  }
0x65: {  	s25 =	sor.u32 $0x6000, s1;
	s29 =	sor.u32 $0x6010, s1;
	s31 =	sor.u32 $0x6020, s1;
	v0 =	vld [tilespmem:s24+$0x0]  }
0x66: {  	s26 =	sor.u32 $0x6030, s1;
	s23 =	sor.u32 $0x6040, s1;
	s18 =	sor.u32 $0x6050, s1;
	v3 =	vld [tilespmem:s1+$0x0]  }
0x67: {  	s17 =	sor.u32 $0x6060, s1;
	v4 =	vld [tilespmem:s1+$0x10]  }
0x68: {  	v5 =	vld [tilespmem:s1+$0x20]  }
0x69: {  	v6 =	vld [tilespmem:s1+$0x30]  }
0x6a: {  	[tilespmem:s24+$0x6000] =	vst.add.f32.msk $0xffff, v0  }
0x6b: {  	v2 =	vld [tilespmem:s1+$0x40]  }
0x6c: {  	v1 =	vld [tilespmem:s1+$0x50]  }
.Ltmp1:
0x6d: {  	v0 =	vld [tilespmem:s1+$0x60];
	(pc) =	sbr.rel @p1 .LBB2_5-.Ltmp1, $4  }
0x6e: {  	[tilespmem:s25+$0x0] =	vst.add.f32.msk $0xffff, v3  }
0x6f: {  	[tilespmem:s29+$0x0] =	vst.add.f32.msk $0xffff, v4  }
0x70: {  	[tilespmem:s31+$0x0] =	vst.add.f32.msk $0xffff, v5  }
0x71: {  	s16 =	sadd.s32 $0x400, s16;
	[tilespmem:s26+$0x0] =	vst.add.f32.msk $0xffff, v6  }
0x72: {  	[tilespmem:s23+$0x0] =	vst.add.f32.msk $0xffff, v2  }
0x73: {  	[tilespmem:s18+$0x0] =	vst.add.f32.msk $0xffff, v1  }
0x74: {  	[tilespmem:s17+$0x0] =	vst.add.f32.msk $0xffff, v0  }
0x75: {  	s0 =	rddreg [dreg:$0xd]  }
0x76: {  	s17 =	simm.s32 $0x6000;
	s1 =	sadd.s32 s12, s0  }
0x77: {  	[hbm4b:s1+s4] =	stream.linear.scatter [tilespmem:s17], [sflag:$0xC], $0x2000, $0x38;
	[tilespmem:$0x14000] =	vst v63  }
0x78: {  	s1 =	simm.s32 @!p0 $0x11  }
0x79: {  	s23 =	sor.u32 $0x200400, s12;
	_ =	swait.ge @!p0 [sflag:s1], $0x2000  }
0x7a: {  	s5 =	simm.s32 $0x0;
	s24 =	simm.s32 $0x10000;
	[sflag:s1] =	ssyncset.done @!p0 $0x0  }
0x7b: {  	s25 =	simm.s32 $0x5;
	s18 =	sadd.s32 s2, s23;
	[sflag:s1] =	ssyncadd.s32 @!p0 $0xFFFFE000  }
0x7c: {  	[tilespmem:s24], [sflag:$0x9] =	stream.linear.gather [hbm4b:s18+s5], $0x2000, $0x38;
	[tilespmem:$0x14000] =	vst v63  }
0x7d: {  	s26 =	sand.u32 $0x1C00, s5;
	_ =	swait.ge [sflag:s25], $0x2000  }
0x7e: {  	s15 =	sor.u32 s26, s5;
	[sflag:s25] =	ssyncset.done $0x0  }
0x7f: {  	s16 =	sand.u32 $0x380, s5;
	s15 =	sor.u32 $0x70, s15;
	[sflag:s25] =	ssyncadd.s32 $0xFFFFE000  }
0x80: {  	s1 =	sor.u32 s16, s26;
	v0 =	vld [tilespmem:s15+$0x0]  }
0x81: {  	v3 =	vld [tilespmem:s1+$0x0]  }
0x82: {  	v4 =	vld [tilespmem:s1+$0x10]  }
0x83: {  	v5 =	vld [tilespmem:s1+$0x20]  }
0x84: {  	v6 =	vld [tilespmem:s1+$0x30]  }
0x85: {  	v2 =	vld [tilespmem:s1+$0x40]  }
0x86: {  	v1 =	vld [tilespmem:s1+$0x50]  }
0x87: {  	[tilespmem:s15+$0x8000] =	vst.add.f32.msk $0xffff, v0  }
0x88: {  	s29 =	sor.u32 $0x8000, s1;
	v0 =	vld [tilespmem:s1+$0x60]  }
0x89: {  	s16 =	sor.u32 $0x8010, s1;
	[tilespmem:s29+$0x0] =	vst.add.f32.msk $0xffff, v3  }
0x8a: {  	s30 =	sor.u32 $0x8020, s1;
	[tilespmem:s16+$0x0] =	vst.add.f32.msk $0xffff, v4  }
0x8b: {  	s31 =	sor.u32 $0x8030, s1;
	s24 =	sor.u32 $0x8040, s1;
	s18 =	sor.u32 $0x8050, s1;
	[tilespmem:s30+$0x0] =	vst.add.f32.msk $0xffff, v5  }
0x8c: {  	s17 =	sor.u32 $0x8060, s1;
	s15 =	simm.s32 $0x0;
	[tilespmem:s31+$0x0] =	vst.add.f32.msk $0xffff, v6;
	s16 =	simm.s32 $0x400  }
.LBB2_7:
0x8d: {  	s1 =	sand.u32 $0x1C00, s16;
	s15 =	sadd.s32 $0x8, s15;
	[tilespmem:s24+$0x0] =	vst.add.f32.msk $0xffff, v2;
	s5 =	sadd.s32 $0x10, s5  }
0x8e: {  	s24 =	sand.u32 $0x380, s5;
	s25 =	sor.u32 s1, s5;
	p1 =	slt.u32 s15, $0x1F8;
	[tilespmem:s18+$0x0] =	vst.add.f32.msk $0xffff, v1  }
0x8f: {  	s1 =	sor.u32 s24, s1;
	s25 =	sor.u32 $0x70, s25;
	[tilespmem:s17+$0x0] =	vst.add.f32.msk $0xffff, v0  }
0x90: {  	s26 =	sor.u32 $0x8000, s1;
	s29 =	sor.u32 $0x8010, s1;
	s31 =	sor.u32 $0x8020, s1;
	v0 =	vld [tilespmem:s25+$0x0]  }
0x91: {  	s30 =	sor.u32 $0x8030, s1;
	s24 =	sor.u32 $0x8040, s1;
	s18 =	sor.u32 $0x8050, s1;
	v3 =	vld [tilespmem:s1+$0x0]  }
0x92: {  	s17 =	sor.u32 $0x8060, s1;
	v4 =	vld [tilespmem:s1+$0x10]  }
0x93: {  	v5 =	vld [tilespmem:s1+$0x20]  }
0x94: {  	v6 =	vld [tilespmem:s1+$0x30]  }
0x95: {  	[tilespmem:s25+$0x8000] =	vst.add.f32.msk $0xffff, v0  }
0x96: {  	v2 =	vld [tilespmem:s1+$0x40]  }
0x97: {  	v1 =	vld [tilespmem:s1+$0x50]  }
.Ltmp2:
0x98: {  	v0 =	vld [tilespmem:s1+$0x60];
	(pc) =	sbr.rel @p1 .LBB2_7-.Ltmp2, $4  }
0x99: {  	[tilespmem:s26+$0x0] =	vst.add.f32.msk $0xffff, v3  }
0x9a: {  	[tilespmem:s29+$0x0] =	vst.add.f32.msk $0xffff, v4  }
0x9b: {  	[tilespmem:s31+$0x0] =	vst.add.f32.msk $0xffff, v5  }
0x9c: {  	s16 =	sadd.s32 $0x400, s16;
	[tilespmem:s30+$0x0] =	vst.add.f32.msk $0xffff, v6  }
0x9d: {  	[tilespmem:s24+$0x0] =	vst.add.f32.msk $0xffff, v2  }
0x9e: {  	[tilespmem:s18+$0x0] =	vst.add.f32.msk $0xffff, v1  }
0x9f: {  	[tilespmem:s17+$0x0] =	vst.add.f32.msk $0xffff, v0  }
0xa0: {  	s0 =	rddreg [dreg:$0xe]  }
0xa1: {  	s16 =	simm.s32 $0x8000;
	s1 =	sadd.s32 s12, s0  }
0xa2: {  	[hbm4b:s1+s4] =	stream.linear.scatter [tilespmem:s16], [sflag:$0xD], $0x2000, $0x38;
	[tilespmem:$0x14000] =	vst v63  }
0xa3: {  	s1 =	simm.s32 @!p0 $0x12  }
0xa4: {  	_ =	swait.ge @!p0 [sflag:s1], $0x2000  }
0xa5: {  	s5 =	sor.u32 $0x300400, s12;
	s15 =	simm.s32 $0x0;
	[sflag:s1] =	ssyncset.done @!p0 $0x0  }
0xa6: {  	s18 =	simm.s32 $0x12000;
	s17 =	sadd.s32 s2, s5;
	[sflag:s1] =	ssyncadd.s32 @!p0 $0xFFFFE000  }
0xa7: {  	[tilespmem:s18], [sflag:$0xA] =	stream.linear.gather [hbm4b:s17+s15], $0x2000, $0x38;
	[tilespmem:$0x14000] =	vst v63  }
0xa8: {  	s24 =	sand.u32 $0x1C00, s15;
	_ =	swait.ge [sflag:s6], $0x2000  }
0xa9: {  	s16 =	sor.u32 s24, s15;
	[sflag:s6] =	ssyncset.done $0x0  }
0xaa: {  	s25 =	sand.u32 $0x380, s15;
	s16 =	sor.u32 $0x70, s16;
	[sflag:s6] =	ssyncadd.s32 $0xFFFFE000  }
0xab: {  	s1 =	sor.u32 s25, s24;
	v0 =	vld [tilespmem:s16+$0x0]  }
0xac: {  	v3 =	vld [tilespmem:s1+$0x0]  }
0xad: {  	v4 =	vld [tilespmem:s1+$0x10]  }
0xae: {  	v5 =	vld [tilespmem:s1+$0x20]  }
0xaf: {  	v6 =	vld [tilespmem:s1+$0x30]  }
0xb0: {  	v2 =	vld [tilespmem:s1+$0x40]  }
0xb1: {  	v1 =	vld [tilespmem:s1+$0x50]  }
0xb2: {  	[tilespmem:s16+$0xA000] =	vst.add.f32.msk $0xffff, v0  }
0xb3: {  	s26 =	sor.u32 $0xA000, s1;
	v0 =	vld [tilespmem:s1+$0x60]  }
0xb4: {  	s17 =	sor.u32 $0xA010, s1;
	[tilespmem:s26+$0x0] =	vst.add.f32.msk $0xffff, v3  }
0xb5: {  	s30 =	sor.u32 $0xA020, s1;
	[tilespmem:s17+$0x0] =	vst.add.f32.msk $0xffff, v4  }
0xb6: {  	s31 =	sor.u32 $0xA030, s1;
	s29 =	sor.u32 $0xA040, s1;
	s24 =	sor.u32 $0xA050, s1;
	[tilespmem:s30+$0x0] =	vst.add.f32.msk $0xffff, v5  }
0xb7: {  	s18 =	sor.u32 $0xA060, s1;
	s16 =	simm.s32 $0x0;
	[tilespmem:s31+$0x0] =	vst.add.f32.msk $0xffff, v6;
	s17 =	simm.s32 $0x400  }
.LBB2_9:
0xb8: {  	s1 =	sand.u32 $0x1C00, s17;
	s16 =	sadd.s32 $0x8, s16;
	[tilespmem:s29+$0x0] =	vst.add.f32.msk $0xffff, v2;
	s15 =	sadd.s32 $0x10, s15  }
0xb9: {  	s25 =	sand.u32 $0x380, s15;
	s26 =	sor.u32 s1, s15;
	p0 =	slt.u32 s16, $0x1F8;
	[tilespmem:s24+$0x0] =	vst.add.f32.msk $0xffff, v1  }
0xba: {  	s1 =	sor.u32 s25, s1;
	s25 =	sor.u32 $0x70, s26;
	[tilespmem:s18+$0x0] =	vst.add.f32.msk $0xffff, v0  }
0xbb: {  	s26 =	sor.u32 $0xA000, s1;
	s30 =	sor.u32 $0xA010, s1;
	s31 =	sor.u32 $0xA020, s1;
	v0 =	vld [tilespmem:s25+$0x0]  }
0xbc: {  	s0 =	sor.u32 $0xA030, s1;
	s29 =	sor.u32 $0xA040, s1;
	s24 =	sor.u32 $0xA050, s1;
	v3 =	vld [tilespmem:s1+$0x0]  }
0xbd: {  	s18 =	sor.u32 $0xA060, s1;
	v4 =	vld [tilespmem:s1+$0x10]  }
0xbe: {  	v5 =	vld [tilespmem:s1+$0x20]  }
0xbf: {  	v6 =	vld [tilespmem:s1+$0x30]  }
0xc0: {  	[tilespmem:s25+$0xA000] =	vst.add.f32.msk $0xffff, v0  }
0xc1: {  	v2 =	vld [tilespmem:s1+$0x40]  }
0xc2: {  	v1 =	vld [tilespmem:s1+$0x50]  }
.Ltmp3:
0xc3: {  	v0 =	vld [tilespmem:s1+$0x60];
	(pc) =	sbr.rel @p0 .LBB2_9-.Ltmp3, $4  }
0xc4: {  	[tilespmem:s26+$0x0] =	vst.add.f32.msk $0xffff, v3  }
0xc5: {  	[tilespmem:s30+$0x0] =	vst.add.f32.msk $0xffff, v4  }
0xc6: {  	[tilespmem:s31+$0x0] =	vst.add.f32.msk $0xffff, v5  }
0xc7: {  	s17 =	sadd.s32 $0x400, s17;
	[tilespmem:s0+$0x0] =	vst.add.f32.msk $0xffff, v6  }
0xc8: {  	[tilespmem:s29+$0x0] =	vst.add.f32.msk $0xffff, v2  }
0xc9: {  	[tilespmem:s24+$0x0] =	vst.add.f32.msk $0xffff, v1  }
0xca: {  	[tilespmem:s18+$0x0] =	vst.add.f32.msk $0xffff, v0  }
0xcb: {  	s0 =	rddreg [dreg:$0xf]  }
0xcc: {  	s1 =	simm.s32 $0xA000;
	s0 =	sadd.s32 s12, s0  }
0xcd: {  	[hbm4b:s0+s4] =	stream.linear.scatter [tilespmem:s1], [sflag:$0xE], $0x2000, $0x38;
	[tilespmem:$0x14000] =	vst v63  }
0xce: {  	_ =	swait.ge [sflag:s7], $0x2000  }
0xcf: {  	p0 =	seq.s32 s21, $0xF;
	[sflag:s7] =	ssyncset.done $0x0  }
0xd0: {  	s0 =	simm.s32 @p0 $0x7;
	[sflag:s7] =	ssyncadd.s32 $0xFFFFE000  }
0xd1: {  	_ =	swait.ge @p0 [sflag:s0], $0x2000  }
0xd2: {  	[sflag:s0] =	ssyncset.done @p0 $0x0  }
0xd3: {  	[sflag:s0] =	ssyncadd.s32 @p0 $0xFFFFE000;
	s0 =	simm.s32 @p0 $0x2  }
0xd4: {  	_ =	swait.ge @p0 [sflag:s0], $0x2000  }
0xd5: {  	s25 =	rddreg [dreg:$0x10]  }
0xd6: {  	s1 =	sadd.s32 s9, s25  }
0xd7: {  	s12 =	simm.s32 @!p0 $0x4000;
	[sflag:s0] =	ssyncset.done @p0 $0x0;
	s9 =	sshll.u32 @!p0 s1, $0x7  }
0xd8: {  	[sflag:s0] =	ssyncadd.s32 @p0 $0xFFFFE000;
	s1 =	simm.s32 @!p0 $0x0;
	s0 =	sadd.s32 @!p0 s2, s9  }
0xd9: {  	[tilespmem:s12], [sflag:$0x3] =	stream.linear.gather @!p0 [hbm4b:s0+s1], $0x2000, $0x38;
	[tilespmem:$0x14000] =	vst v63  }
0xda: {  	s0 =	simm.s32 @!p0 $0x7  }
0xdb: {  	_ =	swait.ge @!p0 [sflag:s0], $0x2000  }
0xdc: {  	[sflag:s0] =	ssyncset.done @!p0 $0x0  }
0xdd: {  	[sflag:s0] =	ssyncadd.s32 @!p0 $0xFFFFE000;
	s0 =	simm.s32 @!p0 $0x2  }
0xde: {  	s12 =	simm.s32 $0x0;
	_ =	swait.ge @!p0 [sflag:s0], $0x2000  }
0xdf: {  	s26 =	sand.u32 $0x1C00, s12;
	[sflag:s0] =	ssyncset.done @!p0 $0x0  }
0xe0: {  	s29 =	sor.u32 s26, s12;
	[sflag:s0] =	ssyncadd.s32 @!p0 $0xFFFFE000;
	s0 =	sadd.s32 @!p0 s8, s14  }
0xe1: {  	[tilespmem:s1], [sflag:$0x1] =	stream.linear.gather @!p0 [hbm4b:s0+s1], $0x2000, $0x38;
	[tilespmem:$0x14000] =	vst v63  }
0xe2: {  	s15 =	sand.u32 $0x380, s12;
	s1 =	sor.u32 $0x70, s29  }
0xe3: {  	s0 =	sor.u32 s15, s26;
	v0 =	vld [tilespmem:s1+$0x2000]  }
0xe4: {  	v3 =	vld [tilespmem:s0+$0x2000]  }
0xe5: {  	v4 =	vld [tilespmem:s0+$0x2010]  }
0xe6: {  	v5 =	vld [tilespmem:s0+$0x2020]  }
0xe7: {  	v6 =	vld [tilespmem:s0+$0x2030]  }
0xe8: {  	v2 =	vld [tilespmem:s0+$0x2040]  }
0xe9: {  	v1 =	vld [tilespmem:s0+$0x2050]  }
0xea: {  	[tilespmem:s1+$0xC000] =	vst.add.f32.msk $0xffff, v0  }
0xeb: {  	s30 =	sor.u32 $0xC000, s0;
	v0 =	vld [tilespmem:s0+$0x2060]  }
0xec: {  	s15 =	sor.u32 $0xC010, s0;
	[tilespmem:s30+$0x0] =	vst.add.f32.msk $0xffff, v3  }
0xed: {  	s8 =	sadd.s32 s3, s8;
	s31 =	sor.u32 $0xC020, s0;
	[tilespmem:s15+$0x0] =	vst.add.f32.msk $0xffff, v4  }
0xee: {  	s16 =	sor.u32 $0xC030, s0;
	s24 =	sor.u32 $0xC040, s0;
	s18 =	sor.u32 $0xC050, s0;
	[tilespmem:s31+$0x0] =	vst.add.f32.msk $0xffff, v5  }
0xef: {  	s17 =	sor.u32 $0xC060, s0;
	s15 =	simm.s32 $0x0;
	[tilespmem:s16+$0x0] =	vst.add.f32.msk $0xffff, v6;
	s16 =	simm.s32 $0x400  }
.LBB2_11:
0xf0: {  	s0 =	sand.u32 $0x1C00, s16;
	s15 =	sadd.s32 $0x8, s15;
	[tilespmem:s24+$0x0] =	vst.add.f32.msk $0xffff, v2;
	s12 =	sadd.s32 $0x10, s12  }
0xf1: {  	s1 =	sand.u32 $0x380, s12;
	s24 =	sor.u32 s0, s12;
	p1 =	slt.u32 s15, $0x1F8;
	[tilespmem:s18+$0x0] =	vst.add.f32.msk $0xffff, v1  }
0xf2: {  	s0 =	sor.u32 s1, s0;
	s1 =	sor.u32 $0x70, s24;
	[tilespmem:s17+$0x0] =	vst.add.f32.msk $0xffff, v0  }
0xf3: {  	s25 =	sor.u32 $0xC000, s0;
	s26 =	sor.u32 $0xC010, s0;
	s29 =	sor.u32 $0xC020, s0;
	v0 =	vld [tilespmem:s1+$0x2000]  }
0xf4: {  	s30 =	sor.u32 $0xC030, s0;
	s24 =	sor.u32 $0xC040, s0;
	s18 =	sor.u32 $0xC050, s0;
	v3 =	vld [tilespmem:s0+$0x2000]  }
0xf5: {  	s17 =	sor.u32 $0xC060, s0;
	v4 =	vld [tilespmem:s0+$0x2010]  }
0xf6: {  	v5 =	vld [tilespmem:s0+$0x2020]  }
0xf7: {  	v6 =	vld [tilespmem:s0+$0x2030]  }
0xf8: {  	[tilespmem:s1+$0xC000] =	vst.add.f32.msk $0xffff, v0  }
0xf9: {  	v2 =	vld [tilespmem:s0+$0x2040]  }
0xfa: {  	v1 =	vld [tilespmem:s0+$0x2050]  }
.Ltmp4:
0xfb: {  	v0 =	vld [tilespmem:s0+$0x2060];
	(pc) =	sbr.rel @p1 .LBB2_11-.Ltmp4, $4  }
0xfc: {  	[tilespmem:s25+$0x0] =	vst.add.f32.msk $0xffff, v3  }
0xfd: {  	[tilespmem:s26+$0x0] =	vst.add.f32.msk $0xffff, v4  }
0xfe: {  	[tilespmem:s29+$0x0] =	vst.add.f32.msk $0xffff, v5  }
0xff: {  	s16 =	sadd.s32 $0x400, s16;
	[tilespmem:s30+$0x0] =	vst.add.f32.msk $0xffff, v6  }
0x100: {  	[tilespmem:s24+$0x0] =	vst.add.f32.msk $0xffff, v2  }
0x101: {  	[tilespmem:s18+$0x0] =	vst.add.f32.msk $0xffff, v1  }
0x102: {  	[tilespmem:s17+$0x0] =	vst.add.f32.msk $0xffff, v0;
	s30 =	simm.s32 $0xC000  }
0x103: {  	[hbm4b:s8+s4] =	stream.linear.scatter [tilespmem:s30], [sflag:$0xF], $0x2000, $0x38;
	[tilespmem:$0x14000] =	vst v63  }
0x104: {  	_ =	swait.ge [sflag:s10], $0x2000  }
0x105: {  	s1 =	simm.s32 @!p0 $0x0;
	[sflag:s10] =	ssyncset.done $0x0;
	s0 =	rddreg [dreg:$0x7]  }
0x106: {  	s8 =	simm.s32 @!p0 $0x6000;
	[sflag:s10] =	ssyncadd.s32 $0xFFFFE000;
	s0 =	sadd.s32 @!p0 s9, s0  }
0x107: {  	[tilespmem:s8], [sflag:$0x4] =	stream.linear.gather @!p0 [hbm4b:s0+s1], $0x2000, $0x38;
	[tilespmem:$0x14000] =	vst v63  }
0x108: {  	s8 =	simm.s32 $0x0  }
0x109: {  	_ =	swait.ge [sflag:s11], $0x2000;
	s25 =	sand.u32 $0x1C00, s8  }
0x10a: {  	[sflag:s11] =	ssyncset.done $0x0;
	s26 =	sor.u32 s25, s8  }
0x10b: {  	s12 =	sand.u32 $0x380, s8;
	[sflag:s11] =	ssyncadd.s32 $0xFFFFE000;
	s1 =	sor.u32 $0x70, s26  }
0x10c: {  	s0 =	sor.u32 s12, s25;
	v0 =	vld [tilespmem:s1+$0x2000]  }
0x10d: {  	v3 =	vld [tilespmem:s0+$0x2000]  }
0x10e: {  	v4 =	vld [tilespmem:s0+$0x2010]  }
0x10f: {  	v5 =	vld [tilespmem:s0+$0x2020]  }
0x110: {  	v6 =	vld [tilespmem:s0+$0x2030]  }
0x111: {  	v2 =	vld [tilespmem:s0+$0x2040]  }
0x112: {  	v1 =	vld [tilespmem:s0+$0x2050]  }
0x113: {  	[tilespmem:s1+$0xE000] =	vst.add.f32.msk $0xffff, v0  }
0x114: {  	s29 =	sor.u32 $0xE000, s0;
	v0 =	vld [tilespmem:s0+$0x2060]  }
0x115: {  	s12 =	sor.u32 $0xE010, s0;
	[tilespmem:s29+$0x0] =	vst.add.f32.msk $0xffff, v3  }
0x116: {  	s31 =	sor.u32 $0xE020, s0;
	[tilespmem:s12+$0x0] =	vst.add.f32.msk $0xffff, v4  }
0x117: {  	s15 =	sor.u32 $0xE030, s0;
	s18 =	sor.u32 $0xE040, s0;
	s17 =	sor.u32 $0xE050, s0;
	[tilespmem:s31+$0x0] =	vst.add.f32.msk $0xffff, v5  }
0x118: {  	s16 =	sor.u32 $0xE060, s0;
	s12 =	simm.s32 $0x0;
	[tilespmem:s15+$0x0] =	vst.add.f32.msk $0xffff, v6;
	s15 =	simm.s32 $0x400  }
.LBB2_13:
0x119: {  	s0 =	sand.u32 $0x1C00, s15;
	s12 =	sadd.s32 $0x8, s12;
	[tilespmem:s18+$0x0] =	vst.add.f32.msk $0xffff, v2;
	s8 =	sadd.s32 $0x10, s8  }
0x11a: {  	s1 =	sand.u32 $0x380, s8;
	s18 =	sor.u32 s0, s8;
	p1 =	slt.u32 s12, $0x1F8;
	[tilespmem:s17+$0x0] =	vst.add.f32.msk $0xffff, v1  }
0x11b: {  	s0 =	sor.u32 s1, s0;
	s1 =	sor.u32 $0x70, s18;
	[tilespmem:s16+$0x0] =	vst.add.f32.msk $0xffff, v0  }
0x11c: {  	s24 =	sor.u32 $0xE000, s0;
	s25 =	sor.u32 $0xE010, s0;
	s26 =	sor.u32 $0xE020, s0;
	v0 =	vld [tilespmem:s1+$0x2000]  }
0x11d: {  	s29 =	sor.u32 $0xE030, s0;
	s18 =	sor.u32 $0xE040, s0;
	s17 =	sor.u32 $0xE050, s0;
	v3 =	vld [tilespmem:s0+$0x2000]  }
0x11e: {  	s16 =	sor.u32 $0xE060, s0;
	v4 =	vld [tilespmem:s0+$0x2010]  }
0x11f: {  	v5 =	vld [tilespmem:s0+$0x2020]  }
0x120: {  	v6 =	vld [tilespmem:s0+$0x2030]  }
0x121: {  	[tilespmem:s1+$0xE000] =	vst.add.f32.msk $0xffff, v0  }
0x122: {  	v2 =	vld [tilespmem:s0+$0x2040]  }
0x123: {  	v1 =	vld [tilespmem:s0+$0x2050]  }
.Ltmp5:
0x124: {  	v0 =	vld [tilespmem:s0+$0x2060];
	(pc) =	sbr.rel @p1 .LBB2_13-.Ltmp5, $4  }
0x125: {  	[tilespmem:s24+$0x0] =	vst.add.f32.msk $0xffff, v3  }
0x126: {  	[tilespmem:s25+$0x0] =	vst.add.f32.msk $0xffff, v4  }
0x127: {  	[tilespmem:s26+$0x0] =	vst.add.f32.msk $0xffff, v5  }
0x128: {  	s15 =	sadd.s32 $0x400, s15;
	[tilespmem:s29+$0x0] =	vst.add.f32.msk $0xffff, v6  }
0x129: {  	[tilespmem:s18+$0x0] =	vst.add.f32.msk $0xffff, v2  }
0x12a: {  	[tilespmem:s17+$0x0] =	vst.add.f32.msk $0xffff, v1  }
0x12b: {  	[tilespmem:s16+$0x0] =	vst.add.f32.msk $0xffff, v0;
	s0 =	sadd.s32 s3, s22;
	s1 =	simm.s32 $0xE000  }
0x12c: {  	[hbm4b:s0+s4] =	stream.linear.scatter [tilespmem:s1], [sflag:$0x10], $0x2000, $0x38;
	[tilespmem:$0x14000] =	vst v63  }
0x12d: {  	_ =	swait.ge [sflag:s13], $0x2000  }
0x12e: {  	s8 =	simm.s32 @!p0 $0x8000;
	[sflag:s13] =	ssyncset.done $0x0;
	s0 =	rddreg [dreg:$0x8]  }
0x12f: {  	s1 =	simm.s32 @!p0 $0x0;
	[sflag:s13] =	ssyncadd.s32 $0xFFFFE000;
	s0 =	sadd.s32 @!p0 s9, s0  }
0x130: {  	[tilespmem:s8], [sflag:$0x5] =	stream.linear.gather @!p0 [hbm4b:s0+s1], $0x2000, $0x38;
	[tilespmem:$0x14000] =	vst v63  }
0x131: {  	s8 =	simm.s32 $0x0  }
0x132: {  	_ =	swait.ge [sflag:s19], $0x2000;
	s25 =	sand.u32 $0x1C00, s8  }
0x133: {  	[sflag:s19] =	ssyncset.done $0x0;
	s26 =	sor.u32 s25, s8  }
0x134: {  	s12 =	sand.u32 $0x380, s8;
	[sflag:s19] =	ssyncadd.s32 $0xFFFFE000;
	s1 =	sor.u32 $0x70, s26  }
0x135: {  	s0 =	sor.u32 s12, s25;
	v0 =	vld [tilespmem:s1+$0x2000]  }
0x136: {  	v3 =	vld [tilespmem:s0+$0x2000]  }
0x137: {  	v4 =	vld [tilespmem:s0+$0x2010]  }
0x138: {  	v5 =	vld [tilespmem:s0+$0x2020]  }
0x139: {  	v6 =	vld [tilespmem:s0+$0x2030]  }
0x13a: {  	v2 =	vld [tilespmem:s0+$0x2040]  }
0x13b: {  	v1 =	vld [tilespmem:s0+$0x2050]  }
0x13c: {  	[tilespmem:s1+$0x10000] =	vst.add.f32.msk $0xffff, v0  }
0x13d: {  	s29 =	sor.u32 $0x10000, s0;
	v0 =	vld [tilespmem:s0+$0x2060]  }
0x13e: {  	s12 =	sor.u32 $0x10010, s0;
	[tilespmem:s29+$0x0] =	vst.add.f32.msk $0xffff, v3  }
0x13f: {  	s31 =	sor.u32 $0x10020, s0;
	[tilespmem:s12+$0x0] =	vst.add.f32.msk $0xffff, v4  }
0x140: {  	s15 =	sor.u32 $0x10030, s0;
	s18 =	sor.u32 $0x10040, s0;
	s17 =	sor.u32 $0x10050, s0;
	[tilespmem:s31+$0x0] =	vst.add.f32.msk $0xffff, v5  }
0x141: {  	s16 =	sor.u32 $0x10060, s0;
	s12 =	simm.s32 $0x0;
	[tilespmem:s15+$0x0] =	vst.add.f32.msk $0xffff, v6;
	s15 =	simm.s32 $0x400  }
.LBB2_15:
0x142: {  	s0 =	sand.u32 $0x1C00, s15;
	s12 =	sadd.s32 $0x8, s12;
	[tilespmem:s18+$0x0] =	vst.add.f32.msk $0xffff, v2;
	s8 =	sadd.s32 $0x10, s8  }
0x143: {  	s1 =	sand.u32 $0x380, s8;
	s18 =	sor.u32 s0, s8;
	p1 =	slt.u32 s12, $0x1F8;
	[tilespmem:s17+$0x0] =	vst.add.f32.msk $0xffff, v1  }
0x144: {  	s0 =	sor.u32 s1, s0;
	s1 =	sor.u32 $0x70, s18;
	[tilespmem:s16+$0x0] =	vst.add.f32.msk $0xffff, v0  }
0x145: {  	s22 =	sor.u32 $0x10000, s0;
	s24 =	sor.u32 $0x10010, s0;
	s25 =	sor.u32 $0x10020, s0;
	v0 =	vld [tilespmem:s1+$0x2000]  }
0x146: {  	s26 =	sor.u32 $0x10030, s0;
	s18 =	sor.u32 $0x10040, s0;
	s17 =	sor.u32 $0x10050, s0;
	v3 =	vld [tilespmem:s0+$0x2000]  }
0x147: {  	s16 =	sor.u32 $0x10060, s0;
	v4 =	vld [tilespmem:s0+$0x2010]  }
0x148: {  	v5 =	vld [tilespmem:s0+$0x2020]  }
0x149: {  	v6 =	vld [tilespmem:s0+$0x2030]  }
0x14a: {  	[tilespmem:s1+$0x10000] =	vst.add.f32.msk $0xffff, v0  }
0x14b: {  	v2 =	vld [tilespmem:s0+$0x2040]  }
0x14c: {  	v1 =	vld [tilespmem:s0+$0x2050]  }
.Ltmp6:
0x14d: {  	v0 =	vld [tilespmem:s0+$0x2060];
	(pc) =	sbr.rel @p1 .LBB2_15-.Ltmp6, $4  }
0x14e: {  	[tilespmem:s22+$0x0] =	vst.add.f32.msk $0xffff, v3  }
0x14f: {  	[tilespmem:s24+$0x0] =	vst.add.f32.msk $0xffff, v4  }
0x150: {  	[tilespmem:s25+$0x0] =	vst.add.f32.msk $0xffff, v5  }
0x151: {  	s15 =	sadd.s32 $0x400, s15;
	[tilespmem:s26+$0x0] =	vst.add.f32.msk $0xffff, v6  }
0x152: {  	[tilespmem:s18+$0x0] =	vst.add.f32.msk $0xffff, v2  }
0x153: {  	[tilespmem:s17+$0x0] =	vst.add.f32.msk $0xffff, v1  }
0x154: {  	[tilespmem:s16+$0x0] =	vst.add.f32.msk $0xffff, v0;
	s0 =	sadd.s32 s3, s23;
	s1 =	simm.s32 $0x10000  }
0x155: {  	[hbm4b:s0+s4] =	stream.linear.scatter [tilespmem:s1], [sflag:$0x11], $0x2000, $0x38;
	[tilespmem:$0x14000] =	vst v63  }
0x156: {  	_ =	swait.ge [sflag:s28], $0x2000  }
0x157: {  	s8 =	simm.s32 @!p0 $0xA000;
	[sflag:s28] =	ssyncset.done $0x0;
	s0 =	rddreg [dreg:$0xb]  }
0x158: {  	s1 =	simm.s32 @!p0 $0x0;
	[sflag:s28] =	ssyncadd.s32 $0xFFFFE000;
	s0 =	sadd.s32 @!p0 s9, s0  }
0x159: {  	[tilespmem:s8], [sflag:$0x6] =	stream.linear.gather @!p0 [hbm4b:s0+s1], $0x2000, $0x38;
	[tilespmem:$0x14000] =	vst v63  }
0x15a: {  	s8 =	simm.s32 $0x0  }
0x15b: {  	_ =	swait.ge [sflag:s20], $0x2000;
	s24 =	sand.u32 $0x1C00, s8  }
0x15c: {  	[sflag:s20] =	ssyncset.done $0x0;
	s25 =	sor.u32 s24, s8  }
0x15d: {  	s26 =	sand.u32 $0x380, s8;
	[sflag:s20] =	ssyncadd.s32 $0xFFFFE000;
	s1 =	sor.u32 $0x70, s25  }
0x15e: {  	s0 =	sor.u32 s26, s24;
	v0 =	vld [tilespmem:s1+$0x2000]  }
0x15f: {  	v3 =	vld [tilespmem:s0+$0x2000]  }
0x160: {  	v4 =	vld [tilespmem:s0+$0x2010]  }
0x161: {  	v5 =	vld [tilespmem:s0+$0x2020]  }
0x162: {  	v6 =	vld [tilespmem:s0+$0x2030]  }
0x163: {  	v2 =	vld [tilespmem:s0+$0x2040]  }
0x164: {  	v1 =	vld [tilespmem:s0+$0x2050]  }
0x165: {  	[tilespmem:s1+$0x12000] =	vst.add.f32.msk $0xffff, v0  }
0x166: {  	s29 =	sor.u32 $0x12000, s0;
	v0 =	vld [tilespmem:s0+$0x2060]  }
0x167: {  	s9 =	sor.u32 $0x12010, s0;
	[tilespmem:s29+$0x0] =	vst.add.f32.msk $0xffff, v3  }
0x168: {  	s31 =	sor.u32 $0x12020, s0;
	[tilespmem:s9+$0x0] =	vst.add.f32.msk $0xffff, v4  }
0x169: {  	s12 =	sor.u32 $0x12030, s0;
	s17 =	sor.u32 $0x12040, s0;
	s16 =	sor.u32 $0x12050, s0;
	[tilespmem:s31+$0x0] =	vst.add.f32.msk $0xffff, v5  }
0x16a: {  	s15 =	sor.u32 $0x12060, s0;
	s9 =	simm.s32 $0x0;
	[tilespmem:s12+$0x0] =	vst.add.f32.msk $0xffff, v6;
	s12 =	simm.s32 $0x400  }
.LBB2_17:
0x16b: {  	s0 =	sand.u32 $0x1C00, s12;
	s9 =	sadd.s32 $0x8, s9;
	[tilespmem:s17+$0x0] =	vst.add.f32.msk $0xffff, v2;
	s8 =	sadd.s32 $0x10, s8  }
0x16c: {  	s1 =	sand.u32 $0x380, s8;
	s17 =	sor.u32 s0, s8;
	p0 =	slt.u32 s9, $0x1F8;
	[tilespmem:s16+$0x0] =	vst.add.f32.msk $0xffff, v1  }
0x16d: {  	s0 =	sor.u32 s1, s0;
	s1 =	sor.u32 $0x70, s17;
	[tilespmem:s15+$0x0] =	vst.add.f32.msk $0xffff, v0  }
0x16e: {  	s18 =	sor.u32 $0x12000, s0;
	s22 =	sor.u32 $0x12010, s0;
	s23 =	sor.u32 $0x12020, s0;
	v0 =	vld [tilespmem:s1+$0x2000]  }
0x16f: {  	s24 =	sor.u32 $0x12030, s0;
	s17 =	sor.u32 $0x12040, s0;
	s16 =	sor.u32 $0x12050, s0;
	v3 =	vld [tilespmem:s0+$0x2000]  }
0x170: {  	s15 =	sor.u32 $0x12060, s0;
	v4 =	vld [tilespmem:s0+$0x2010]  }
0x171: {  	v5 =	vld [tilespmem:s0+$0x2020]  }
0x172: {  	v6 =	vld [tilespmem:s0+$0x2030]  }
0x173: {  	[tilespmem:s1+$0x12000] =	vst.add.f32.msk $0xffff, v0  }
0x174: {  	v2 =	vld [tilespmem:s0+$0x2040]  }
0x175: {  	v1 =	vld [tilespmem:s0+$0x2050]  }
.Ltmp7:
0x176: {  	v0 =	vld [tilespmem:s0+$0x2060];
	(pc) =	sbr.rel @p0 .LBB2_17-.Ltmp7, $4  }
0x177: {  	[tilespmem:s18+$0x0] =	vst.add.f32.msk $0xffff, v3  }
0x178: {  	[tilespmem:s22+$0x0] =	vst.add.f32.msk $0xffff, v4  }
0x179: {  	[tilespmem:s23+$0x0] =	vst.add.f32.msk $0xffff, v5  }
0x17a: {  	s12 =	sadd.s32 $0x400, s12;
	[tilespmem:s24+$0x0] =	vst.add.f32.msk $0xffff, v6  }
0x17b: {  	s21 =	sadd.s32 $0x1, s21  }
0x17c: {  	p0 =	sne.s32 s21, $0x10  }
.Ltmp8:
0x17d: {  	_ = 	snop;
	(pc) =	sbr.rel @p0 .LBB2_2-.Ltmp8, $4  }
0x17e: {  	[tilespmem:s17+$0x0] =	vst.add.f32.msk $0xffff, v2  }
0x17f: {  	[tilespmem:s16+$0x0] =	vst.add.f32.msk $0xffff, v1  }
0x180: {  	[tilespmem:s15+$0x0] =	vst.add.f32.msk $0xffff, v0;
	s0 =	sadd.s32 s3, s5;
	s1 =	simm.s32 $0x12000  }
0x181: {  	[hbm4b:s0+s4] =	stream.linear.scatter [tilespmem:s1], [sflag:$0x12], $0x2000, $0x38;
	[tilespmem:$0x14000] =	vst v63  }
0x182: {  	s0 =	simm.s32 $0xF  }
0x183: {  	_ =	swait.ge [sflag:s0], $0x2000  }
0x184: {  	[sflag:s0] =	ssyncset.done $0x0  }
0x185: {  	s26 =	simm.s32 $0x10;
	[sflag:s0] =	ssyncadd.s32 $0xFFFFE000  }
0x186: {  	_ =	swait.ge [sflag:s26], $0x2000  }
0x187: {  	[sflag:s26] =	ssyncset.done $0x0  }
0x188: {  	s29 =	simm.s32 $0x11;
	[sflag:s26] =	ssyncadd.s32 $0xFFFFE000  }
0x189: {  	_ =	swait.ge [sflag:s29], $0x2000  }
0x18a: {  	[sflag:s29] =	ssyncset.done $0x0  }
0x18b: {  	s1 =	simm.s32 $0x12;
	[sflag:s29] =	ssyncadd.s32 $0xFFFFE000  }
0x18c: {  	_ =	swait.ge [sflag:s1], $0x2000  }
0x18d: {  	s5 =	rddreg [dreg:$0x12]  }
0x18e: {  	s31 =	rddreg [dreg:$0x11];
	s5 =	sadd.s32 $0x1, s5  }
0x18f: {  	p0 =	sne.s32 s5, s31  }
.Ltmp9:
0x190: {  	_ = 	snop;
	(pc) =	sbr.rel @p0 .LBB2_1-.Ltmp9, $3  }
0x191: {  	_ =	sdelay $0x1  }
0x192: {  	[sflag:s1] =	ssyncset.done $0x0  }
0x193: {  	[sflag:s1] =	ssyncadd.s32 $0xFFFFE000  }
0x194: {  	_ =	sfence.sel $0x180000  }
0x195: {  	[bflag:$0x0] =	sbarrier.arrive $0xFFFF  }
0x196: {  	_ =	strace $0x90000047  }
0x197: {  	s0 =	stileid.u32;
	[bflag:$0x2] =	sbarrier.arrive $0xFFFF  }
0x198: {  	p0 =	sne.s32 s0, $0x0;
	s0 =	rddreg [dreg:$0x3]  }
0x199: {  	s0 =	sadd.s32 @!p0 $0x100000, s0  }
0x19a: {  	[sflag:s0] =	ssyncadd.tile.s32 @!p0 $0x1;
	_ =	shalt  }
.Lfunc_end2:
_tile_overlayer_lowered:
.L_overlay_start_2:
0x19b: {  	(tag) =	ssettag $0x2  }
0x19c: {  	s0 =	rddreg [dreg:$0x0];
	s2 =	stileid.u32  }
0x19d: {  	s1 =	rddreg [dreg:$0x1];
	p0 =	sne.s32 s2, $0x0  }
0x19e: {  	s3 =	rddreg [dreg:$0x2];
	[bflag:$0x3] =	sbarrier.arrive $0xFFFF;
	s2 =	simm.s32 @!p0 $0x1C13  }
0x19f: {  	[timem:s3], [sflag:s2] =	dma.local @!p0 [hbm:s0], s1  }
0x1a0: {  	s0 =	simm.s32 @!p0 $0x13  }
0x1a1: {  	_ =	swait.ge @!p0 [sflag:s0], s1  }
0x1a2: {  	s1 =	ssub.s32 @!p0 $0x0, s1;
	[sflag:s0] =	ssyncset.done @!p0 $0x0  }
0x1a3: {  	[sflag:s0] =	ssyncadd.s32 @!p0 s1  }
0x1a4: {  	[bflag:$0x3] =	sbarrier.arrive $0xFFFF  }
0x1a5: {  	_ =	shalt  }

</sc_bundles>
